<compile_context>
chip_gen: v7x
topology: tpu7x:2x2x1
jax: 0.10.2.dev20260603
libtpu: 0.0.44.dev20260713+nightly
codegen_flags: <defaults>
</compile_context>

<pallas_src>
import functools

import jax
import jax.numpy as jnp
from jax import lax
from jax.experimental import pallas as pl
from jax.experimental.pallas import tpu as pltpu
from jax.experimental.pallas import tpu_sc as plsc

NUM_SPANS = 16384
P = 65536
SPAN_DIM = 256
HIDDEN = 150
ANT_PER_SPAN = 4

CHUNK = 128
PACKED = 128
NCH = 4


PBLK = 2048


def _pack_body(s_ref, out_ref):
    x = s_ref[...]
    lo = lax.bitcast_convert_type(
        x[:, :PACKED].astype(jnp.bfloat16), jnp.uint16).astype(jnp.uint32)
    hi = lax.bitcast_convert_type(
        x[:, PACKED:].astype(jnp.bfloat16), jnp.uint16).astype(jnp.uint32)
    out_ref[...] = lax.bitcast_convert_type(lo | (hi << 16), jnp.float32)


def _pack(span_reps):
    return pl.pallas_call(
        _pack_body,
        grid=(NUM_SPANS // PBLK,),
        in_specs=[pl.BlockSpec((PBLK, SPAN_DIM), lambda i: (i, 0))],
        out_specs=pl.BlockSpec((PBLK, PACKED), lambda i: (i, 0)),
        out_shape=jax.ShapeDtypeStruct((NUM_SPANS, PACKED), jnp.float32),
    )(span_reps)


def _sc_gather(span_packed, mention_ids, antecedent_ids):
    n = mention_ids.shape[0]
    info = plsc.get_sparse_core_info()
    nc, ns = info.num_cores, info.num_subcores
    nw = nc * ns
    per_w = n // nw
    n_chunks = per_w // CHUNK

    mesh = plsc.VectorSubcoreMesh(core_axis_name="c", subcore_axis_name="s")

    @functools.partial(
        pl.kernel,
        mesh=mesh,
        out_type=[
            jax.ShapeDtypeStruct((n, PACKED), jnp.float32),
            jax.ShapeDtypeStruct((n, PACKED), jnp.float32),
        ],
        scratch_types=[
            pltpu.VMEM((CHUNK,), jnp.int32),
            pltpu.VMEM((CHUNK,), jnp.int32),
            pltpu.VMEM((CHUNK, PACKED), jnp.float32),
            pltpu.VMEM((CHUNK, PACKED), jnp.float32),
            pltpu.SemaphoreType.DMA,
            pltpu.SemaphoreType.DMA,
        ],
    )
    def k(span_hbm, mid_hbm, aid_hbm,
          out_m, out_a,
          idx_m, idx_a, rows_m, rows_a,
          sem0, sem1):
        wid = lax.axis_index("s") * nc + lax.axis_index("c")

        def body(c, _):
            base = wid * per_w + c * CHUNK
            pltpu.sync_copy(mid_hbm.at[pl.ds(base, CHUNK)], idx_m)
            pltpu.sync_copy(aid_hbm.at[pl.ds(base, CHUNK)], idx_a)
            d0 = pltpu.async_copy(span_hbm.at[idx_m], rows_m, sem0)
            d1 = pltpu.async_copy(span_hbm.at[idx_a], rows_a, sem1)
            d0.wait()
            d1.wait()
            pltpu.sync_copy(rows_m, out_m.at[pl.ds(base, CHUNK)])
            pltpu.sync_copy(rows_a, out_a.at[pl.ds(base, CHUNK)])
            return _

        lax.fori_loop(0, n_chunks, body, None)

    return k(span_packed, mention_ids, antecedent_ids)


BLK = 2048


def _score_lookup(ids, smat):
    hi = ids >> 7
    lo = ids & 127
    oh_hi = (hi == lax.broadcasted_iota(jnp.int32, (1, 128), 1)).astype(jnp.float32)
    rows = jnp.dot(oh_hi, smat, preferred_element_type=jnp.float32)
    oh_lo = (lo == lax.broadcasted_iota(jnp.int32, (1, 128), 1)).astype(jnp.float32)
    return jnp.sum(rows * oh_lo, axis=1, keepdims=True)


def _ffnn_body(m_ref, a_ref, mid_ref, aid_ref, did_ref, gid_ref, sid_ref,
               smat_ref, dt_ref, gt_ref, st_ref,
               w1ma_ref, w1p_ref, w1d_ref, w1g_ref, w1s_ref,
               b1_ref, w2_ref, b2_ref, w3_ref, b3_ref, out_ref):
    mid = jnp.reshape(mid_ref[...], (BLK, 1))
    aid = jnp.reshape(aid_ref[...], (BLK, 1))
    did = jnp.reshape(did_ref[...], (BLK, 1))
    gid = jnp.reshape(gid_ref[...], (BLK, 1))
    sid = jnp.reshape(sid_ref[...], (BLK, 1))

    mv = lax.bitcast_convert_type(m_ref[...], jnp.int32)
    av = lax.bitcast_convert_type(a_ref[...], jnp.int32)
    m_e = lax.bitcast_convert_type(mv << 16, jnp.float32)
    m_o = lax.bitcast_convert_type(mv & jnp.int32(-65536), jnp.float32)
    a_e = lax.bitcast_convert_type(av << 16, jnp.float32)
    a_o = lax.bitcast_convert_type(av & jnp.int32(-65536), jnp.float32)
    msg = _score_lookup(mid, smat_ref[...])
    asg = _score_lookup(aid, smat_ref[...])
    x_ma = jnp.concatenate([m_e, m_o, a_e, a_o], axis=1)
    h = jnp.dot(x_ma, w1ma_ref[...], preferred_element_type=jnp.float32)
    prod = jnp.concatenate([m_e * a_e, m_o * a_o], axis=1)
    h = h + jnp.dot(prod, w1p_ref[...], preferred_element_type=jnp.float32)
    projd = jnp.dot(dt_ref[...], w1d_ref[...], preferred_element_type=jnp.float32)
    projg = jnp.dot(gt_ref[...], w1g_ref[...], preferred_element_type=jnp.float32)
    projs = jnp.dot(st_ref[...], w1s_ref[...], preferred_element_type=jnp.float32)
    ohd = (did == lax.broadcasted_iota(jnp.int32, (1, 10), 1)).astype(jnp.float32)
    ohg = (gid == lax.broadcasted_iota(jnp.int32, (1, 8), 1)).astype(jnp.float32)
    ohs = (sid == lax.broadcasted_iota(jnp.int32, (1, 3), 1)).astype(jnp.float32)
    h = h + jnp.dot(ohd, projd, preferred_element_type=jnp.float32)
    h = h + jnp.dot(ohg, projg, preferred_element_type=jnp.float32)
    h = h + jnp.dot(ohs, projs, preferred_element_type=jnp.float32)
    h1 = jnp.maximum(h + b1_ref[...], 0.0)
    h2 = jnp.maximum(jnp.dot(h1, w2_ref[...], preferred_element_type=jnp.float32)
                     + b2_ref[...], 0.0)
    s = jnp.dot(h2, w3_ref[...], preferred_element_type=jnp.float32) + b3_ref[...]
    out_ref[...] = jnp.reshape(s + msg + asg, (1, 1, BLK))


def _ffnn(m_rows, a_rows, mid, aid, did, gid, sid,
          smat_split, dist_table, genre_table, speaker_table,
          w1ma, w1p, w1d, w1g, w1s, b1, W2, b2, W3, b3):
    n = m_rows.shape[0]
    grid = (n // BLK,)
    blk2 = lambda i: (i, 0)
    fixed = lambda i: (0, 0)
    return pl.pallas_call(
        _ffnn_body,
        grid=grid,
        in_specs=[
            pl.BlockSpec((BLK, PACKED), blk2),
            pl.BlockSpec((BLK, PACKED), blk2),
            pl.BlockSpec((1, 1, BLK), lambda i: (i, 0, 0)),
            pl.BlockSpec((1, 1, BLK), lambda i: (i, 0, 0)),
            pl.BlockSpec((1, 1, BLK), lambda i: (i, 0, 0)),
            pl.BlockSpec((1, 1, BLK), lambda i: (i, 0, 0)),
            pl.BlockSpec((1, 1, BLK), lambda i: (i, 0, 0)),
            pl.BlockSpec((128, 128), fixed),
            pl.BlockSpec((10, 20), fixed),
            pl.BlockSpec((8, 20), fixed),
            pl.BlockSpec((3, 20), fixed),
            pl.BlockSpec((512, HIDDEN), fixed),
            pl.BlockSpec((256, HIDDEN), fixed),
            pl.BlockSpec((20, HIDDEN), fixed),
            pl.BlockSpec((20, HIDDEN), fixed),
            pl.BlockSpec((20, HIDDEN), fixed),
            pl.BlockSpec((1, HIDDEN), fixed),
            pl.BlockSpec((HIDDEN, HIDDEN), fixed),
            pl.BlockSpec((1, HIDDEN), fixed),
            pl.BlockSpec((HIDDEN, 1), fixed),
            pl.BlockSpec((1, 1), fixed),
        ],
        out_specs=pl.BlockSpec((1, 1, BLK), lambda i: (i, 0, 0)),
        out_shape=jax.ShapeDtypeStruct((n // BLK, 1, BLK), jnp.float32),
    )(m_rows, a_rows, mid, aid, did, gid, sid,
      smat_split, dist_table, genre_table, speaker_table,
      w1ma, w1p, w1d, w1g, w1s,
      b1.reshape(1, HIDDEN), W2, b2.reshape(1, HIDDEN), W3, b3.reshape(1, 1))


SBLK = 2048


def _softmax_body(s_ref, out_ref):
    x = s_ref[...]
    mx = jnp.maximum(jnp.max(x, axis=1, keepdims=True), 0.0)
    e = jnp.exp(x - mx)
    e0 = jnp.exp(-mx)
    d = jnp.sum(e, axis=1, keepdims=True) + e0
    out_ref[...] = jnp.concatenate([e, e0], axis=1) / d


def _softmax(scores):
    return pl.pallas_call(
        _softmax_body,
        grid=(NUM_SPANS // SBLK,),
        in_specs=[pl.BlockSpec((SBLK, ANT_PER_SPAN), lambda i: (i, 0))],
        out_specs=pl.BlockSpec((SBLK, ANT_PER_SPAN + 1), lambda i: (i, 0)),
        out_shape=jax.ShapeDtypeStruct((NUM_SPANS, ANT_PER_SPAN + 1),
                                       jnp.float32),
    )(scores)


def kernel(span_representations, mention_scores, mention_ids, antecedent_ids,
           distance_ids, genre_ids, speaker_ids,
           dist_table, genre_table, speaker_table,
           W1, b1, W2, b2, W3, b3):
    mid = mention_ids.astype(jnp.int32)
    aid = antecedent_ids.astype(jnp.int32)
    did = distance_ids.astype(jnp.int32)
    gid = genre_ids.astype(jnp.int32)
    sid = speaker_ids.astype(jnp.int32)
    span_packed = _pack(span_representations)
    smat_split = mention_scores.reshape(128, 128)
    w1ma = W1[:2 * SPAN_DIM]
    w1p = W1[2 * SPAN_DIM:3 * SPAN_DIM]
    w1d = W1[768:788]
    w1g = W1[788:808]
    w1s = W1[808:828]

    cp = P // NCH
    s_parts = []
    for c in range(NCH):
        sl = slice(c * cp, (c + 1) * cp)
        m_rows, a_rows = _sc_gather(span_packed, mid[sl], aid[sl])
        s = _ffnn(m_rows, a_rows,
                  mid[sl].reshape(cp // BLK, 1, BLK),
                  aid[sl].reshape(cp // BLK, 1, BLK),
                  did[sl].reshape(cp // BLK, 1, BLK),
                  gid[sl].reshape(cp // BLK, 1, BLK),
                  sid[sl].reshape(cp // BLK, 1, BLK),
                  smat_split, dist_table, genre_table, speaker_table,
                  w1ma, w1p, w1d, w1g, w1s, b1, W2, b2, W3, b3)
        s_parts.append(s)
    s = jnp.concatenate(s_parts, axis=0)
    return _softmax(s.reshape(NUM_SPANS, ANT_PER_SPAN))

# --- scband reference (transcript-rebuilt; emitter-appended) ---
"""Pipeline reference for scband-pairwise-scorer-31894427140391 (READ-ONLY COPY).

The authoritative reference and input builder live on the scoring server;
editing this copy changes nothing except your own understanding.
"""

import jax, jax.numpy as jnp
import numpy as np

NUM_SPANS = 16384
P = 65536
SPAN_DIM = 256
DIST_DIM = 20
GENRE_DIM = 20
SPK_DIM = 20
HIDDEN = 150
ANT_PER_SPAN = P // NUM_SPANS  # 4 antecedents per mention (regularized ragged structure)
IN_DIM = SPAN_DIM * 3 + DIST_DIM + GENRE_DIM + SPK_DIM


def setup_inputs(seed: int = 0) -> dict:
    key = jax.random.key(seed)
    ks = jax.random.split(key, 17)
    span_representations = jax.random.normal(ks[0], (NUM_SPANS, SPAN_DIM), dtype=jnp.float32)
    mention_scores = jax.random.normal(ks[1], (NUM_SPANS, 1), dtype=jnp.float32)
    mention_ids = jax.random.randint(ks[2], (P,), 0, NUM_SPANS, dtype=jnp.int64 if jax.config.jax_enable_x64 else jnp.int32)
    antecedent_ids = jax.random.randint(ks[3], (P,), 0, NUM_SPANS, dtype=jnp.int64 if jax.config.jax_enable_x64 else jnp.int32)
    distance_ids = jax.random.randint(ks[4], (P,), 0, 10)
    genre_ids = jax.random.randint(ks[5], (P,), 0, 8)
    speaker_ids = jax.random.randint(ks[6], (P,), 0, 3)
    # learned params
    dist_table = jax.random.normal(ks[7], (10, DIST_DIM), dtype=jnp.float32) * 0.02
    genre_table = jax.random.normal(ks[8], (8, GENRE_DIM), dtype=jnp.float32) * 0.02
    genre_table = genre_table.at[0].set(0.0)  # padding_idx=0
    speaker_table = jax.random.normal(ks[9], (3, SPK_DIM), dtype=jnp.float32) * 0.02
    speaker_table = speaker_table.at[0].set(0.0)  # padding_idx=0
    W1 = jax.random.normal(ks[10], (IN_DIM, HIDDEN), dtype=jnp.float32) * (1.0 / np.sqrt(IN_DIM))
    b1 = jnp.zeros((HIDDEN,), dtype=jnp.float32)
    W2 = jax.random.normal(ks[11], (HIDDEN, HIDDEN), dtype=jnp.float32) * (1.0 / np.sqrt(HIDDEN))
    b2 = jnp.zeros((HIDDEN,), dtype=jnp.float32)
    W3 = jax.random.normal(ks[12], (HIDDEN, 1), dtype=jnp.float32) * (1.0 / np.sqrt(HIDDEN))
    b3 = jnp.zeros((1,), dtype=jnp.float32)
    return {
        "span_representations": span_representations,
        "mention_scores": mention_scores,
        "mention_ids": mention_ids,
        "antecedent_ids": antecedent_ids,
        "distance_ids": distance_ids,
        "genre_ids": genre_ids,
        "speaker_ids": speaker_ids,
        "dist_table": dist_table,
        "genre_table": genre_table,
        "speaker_table": speaker_table,
        "W1": W1, "b1": b1, "W2": W2, "b2": b2, "W3": W3, "b3": b3,
    }


def reference(span_representations, mention_scores, mention_ids, antecedent_ids,
              distance_ids, genre_ids, speaker_ids,
              dist_table, genre_table, speaker_table,
              W1, b1, W2, b2, W3, b3):
    # phi features: distance / genre / speaker embedding lookups (dropout off, eval mode)
    phi = jnp.concatenate([
        jnp.take(dist_table, distance_ids, axis=0),
        jnp.take(genre_table, genre_ids, axis=0),
        jnp.take(speaker_table, speaker_ids, axis=0),
    ], axis=1)
    # gather span representations (torch.index_select)
    m_r = jnp.take(span_representations, mention_ids, axis=0)
    a_r = jnp.take(span_representations, antecedent_ids, axis=0)
    pairs = jnp.concatenate([m_r, a_r, m_r * a_r, phi], axis=1)
    # FFNN antecedent scorer
    h = jax.nn.relu(pairs @ W1 + b1)
    h = jax.nn.relu(h @ W2 + b2)
    am_s = h @ W3 + b3
    # gather mention scores
    m_s = jnp.take(mention_scores, mention_ids, axis=0)
    a_s = jnp.take(mention_scores, antecedent_ids, axis=0)
    coref_scores = jnp.sum(jnp.concatenate([m_s, a_s, am_s], axis=1), axis=1, keepdims=True)
    # ragged split per mention + epsilon dummy antecedent + softmax (pad_and_stack)
    scores = coref_scores.reshape(NUM_SPANS, ANT_PER_SPAN)
    eps = jnp.zeros((NUM_SPANS, 1), dtype=scores.dtype)
    with_eps = jnp.concatenate([scores, eps], axis=1)
    padded_probs = jax.nn.softmax(with_eps, axis=1)
    return padded_probs

if __name__ == "__main__":
    import jax
    _d = setup_inputs()
    print(jax.jit(kernel)(*tuple(_d.values())))

</pallas_src>

<mosaic_0001>
#map = affine_map<(d0, d1) -> (0, 0)>
#map1 = affine_map<(d0, d1) -> (0)>
module attributes {stable_mosaic.version = 14 : i64} {
  func.func @k(%arg0: i32, %arg1: i32, %arg2: memref<16384x128xf32, #tpu.memory_space<hbm>>, %arg3: memref<16384xi32, #tpu.memory_space<hbm>>, %arg4: memref<16384xi32, #tpu.memory_space<hbm>>, %arg5: memref<16384x128xf32, #tpu.memory_space<hbm>>, %arg6: memref<16384x128xf32, #tpu.memory_space<hbm>>, %arg7: memref<128xi32, #tpu.memory_space<vmem>>, %arg8: memref<128xi32, #tpu.memory_space<vmem>>, %arg9: memref<128x128xf32, #tpu.memory_space<vmem>>, %arg10: memref<128x128xf32, #tpu.memory_space<vmem>>, %arg11: memref<!tpu.dma_semaphore, #tpu.memory_space<semaphore_mem>>, %arg12: memref<!tpu.dma_semaphore, #tpu.memory_space<semaphore_mem>>) attributes {dimension_semantics = [#tpu.dimension_semantics<core_parallel>, #tpu.dimension_semantics<subcore_parallel>], iteration_bounds = array<i64: 2, 16>, scalar_prefetch = 0 : i64, scratch_operands = 6 : i64, tpu.core_type = #tpu.core_type<sc_vector_subcore>, window_params = [{transform_indices = #map}, {transform_indices = #map1}, {transform_indices = #map1}, {transform_indices = #map}, {transform_indices = #map}]} {
    %mul3A = arith.constant 2 : i32
    %mul3A_0 = arith.muli %arg1, %mul3A : i32
    %add3A = arith.addi %mul3A_0, %arg0 : i32
    %scan3A = arith.constant 0 : i32
    %scan3A_1 = arith.constant 4 : i32
    %scan3A_2 = arith.addi %scan3A, %scan3A_1 : i32
    %scan3A_3 = arith.constant 1 : i32
    scf.for %scan3A_5 = %scan3A to %scan3A_2 step %scan3A_3  : i32 {
      %mul3A_6 = arith.constant 512 : i32
      %mul3A_7 = arith.muli %add3A, %mul3A_6 : i32
      %mul3A_8 = arith.constant 128 : i32
      %mul3A_9 = arith.muli %scan3A_5, %mul3A_8 : i32
      %add3A_10 = arith.addi %mul3A_7, %mul3A_9 : i32
      "tpu.region"() ({
        %run_scoped3A = tpu.sem_alloc : memref<!tpu.dma_semaphore, #tpu.memory_space<semaphore_mem>>
        %dma_start3A_21 = tpu.memref_slice %arg3[%add3A_10] : memref<16384xi32, #tpu.memory_space<hbm>> -> memref<128xi32, #tpu.memory_space<hbm>>
        %dma_start3A_22 = tpu.memref_slice %arg3[%add3A_10] : memref<16384xi32, #tpu.memory_space<hbm>> -> memref<128xi32, #tpu.memory_space<hbm>>
        tpu.enqueue_dma source(%dma_start3A_22 : memref<128xi32, #tpu.memory_space<hbm>>) target(%arg7 : memref<128xi32, #tpu.memory_space<vmem>>) target_semaphore(%run_scoped3A : memref<!tpu.dma_semaphore, #tpu.memory_space<semaphore_mem>>)
        %dma_wait3A_23 = tpu.memref_slice %arg3[%add3A_10] : memref<16384xi32, #tpu.memory_space<hbm>> -> memref<128xi32, #tpu.memory_space<hbm>>
        %dma_wait3A_24 = tpu.memref_slice %arg3[%add3A_10] : memref<16384xi32, #tpu.memory_space<hbm>> -> memref<128xi32, #tpu.memory_space<hbm>>
        tpu.wait_dma2 semaphore(%run_scoped3A : memref<!tpu.dma_semaphore, #tpu.memory_space<semaphore_mem>>) src(%dma_wait3A_24 : memref<128xi32, #tpu.memory_space<hbm>>) dst(%arg7 : memref<128xi32, #tpu.memory_space<vmem>>)
        tpu.yield
      }) : () -> ()
      "tpu.region"() ({
        %run_scoped3A = tpu.sem_alloc : memref<!tpu.dma_semaphore, #tpu.memory_space<semaphore_mem>>
        %dma_start3A_21 = tpu.memref_slice %arg4[%add3A_10] : memref<16384xi32, #tpu.memory_space<hbm>> -> memref<128xi32, #tpu.memory_space<hbm>>
        %dma_start3A_22 = tpu.memref_slice %arg4[%add3A_10] : memref<16384xi32, #tpu.memory_space<hbm>> -> memref<128xi32, #tpu.memory_space<hbm>>
        tpu.enqueue_dma source(%dma_start3A_22 : memref<128xi32, #tpu.memory_space<hbm>>) target(%arg8 : memref<128xi32, #tpu.memory_space<vmem>>) target_semaphore(%run_scoped3A : memref<!tpu.dma_semaphore, #tpu.memory_space<semaphore_mem>>)
        %dma_wait3A_23 = tpu.memref_slice %arg4[%add3A_10] : memref<16384xi32, #tpu.memory_space<hbm>> -> memref<128xi32, #tpu.memory_space<hbm>>
        %dma_wait3A_24 = tpu.memref_slice %arg4[%add3A_10] : memref<16384xi32, #tpu.memory_space<hbm>> -> memref<128xi32, #tpu.memory_space<hbm>>
        tpu.wait_dma2 semaphore(%run_scoped3A : memref<!tpu.dma_semaphore, #tpu.memory_space<semaphore_mem>>) src(%dma_wait3A_24 : memref<128xi32, #tpu.memory_space<hbm>>) dst(%arg8 : memref<128xi32, #tpu.memory_space<vmem>>)
        tpu.yield
      }) : () -> ()
      %dma_start3A = arith.constant 0 : i32
      %dma_start3A_11 = arith.constant 0 : i32
      %dma_start3A_12 = tpu.memref_slice %arg2[%dma_start3A, %dma_start3A_11] : memref<16384x128xf32, #tpu.memory_space<hbm>> -> memref<16384x128xf32, #tpu.memory_space<hbm>>
      tpu.enqueue_indirect_dma source(%dma_start3A_12 : memref<16384x128xf32, #tpu.memory_space<hbm>>) target(%arg9 : memref<128x128xf32, #tpu.memory_space<vmem>>) offsets(%arg7 : memref<128xi32, #tpu.memory_space<vmem>>) semaphore(%arg11 : memref<!tpu.dma_semaphore, #tpu.memory_space<semaphore_mem>>)
      %dma_start3A_13 = arith.constant 0 : i32
      %dma_start3A_14 = arith.constant 0 : i32
      %dma_start3A_15 = tpu.memref_slice %arg2[%dma_start3A_13, %dma_start3A_14] : memref<16384x128xf32, #tpu.memory_space<hbm>> -> memref<16384x128xf32, #tpu.memory_space<hbm>>
      tpu.enqueue_indirect_dma source(%dma_start3A_15 : memref<16384x128xf32, #tpu.memory_space<hbm>>) target(%arg10 : memref<128x128xf32, #tpu.memory_space<vmem>>) offsets(%arg8 : memref<128xi32, #tpu.memory_space<vmem>>) semaphore(%arg12 : memref<!tpu.dma_semaphore, #tpu.memory_space<semaphore_mem>>)
      %dma_wait3A = arith.constant 0 : i32
      %dma_wait3A_16 = arith.constant 0 : i32
      %dma_wait3A_17 = tpu.memref_slice %arg2[%dma_wait3A, %dma_wait3A_16] : memref<16384x128xf32, #tpu.memory_space<hbm>> -> memref<16384x128xf32, #tpu.memory_space<hbm>>
      tpu.wait_indirect_dma semaphore(%arg11 : memref<!tpu.dma_semaphore, #tpu.memory_space<semaphore_mem>>) src(%dma_wait3A_17 : memref<16384x128xf32, #tpu.memory_space<hbm>>) dst(%arg9 : memref<128x128xf32, #tpu.memory_space<vmem>>)
      %dma_wait3A_18 = arith.constant 0 : i32
      %dma_wait3A_19 = arith.constant 0 : i32
      %dma_wait3A_20 = tpu.memref_slice %arg2[%dma_wait3A_18, %dma_wait3A_19] : memref<16384x128xf32, #tpu.memory_space<hbm>> -> memref<16384x128xf32, #tpu.memory_space<hbm>>
      tpu.wait_indirect_dma semaphore(%arg12 : memref<!tpu.dma_semaphore, #tpu.memory_space<semaphore_mem>>) src(%dma_wait3A_20 : memref<16384x128xf32, #tpu.memory_space<hbm>>) dst(%arg10 : memref<128x128xf32, #tpu.memory_space<vmem>>)
      "tpu.region"() ({
        %run_scoped3A = tpu.sem_alloc : memref<!tpu.dma_semaphore, #tpu.memory_space<semaphore_mem>>
        %dma_start3A_21 = arith.constant 0 : i32
        %dma_start3A_22 = tpu.memref_slice %arg5[%add3A_10, %dma_start3A_21] : memref<16384x128xf32, #tpu.memory_space<hbm>> -> memref<128x128xf32, #tpu.memory_space<hbm>>
        %dma_start3A_23 = arith.constant 0 : i32
        %dma_start3A_24 = tpu.memref_slice %arg5[%add3A_10, %dma_start3A_23] : memref<16384x128xf32, #tpu.memory_space<hbm>> -> memref<128x128xf32, #tpu.memory_space<hbm>>
        tpu.enqueue_dma source(%arg9 : memref<128x128xf32, #tpu.memory_space<vmem>>) target(%dma_start3A_24 : memref<128x128xf32, #tpu.memory_space<hbm>>) target_semaphore(%run_scoped3A : memref<!tpu.dma_semaphore, #tpu.memory_space<semaphore_mem>>)
        %dma_wait3A_25 = arith.constant 0 : i32
        %dma_wait3A_26 = tpu.memref_slice %arg5[%add3A_10, %dma_wait3A_25] : memref<16384x128xf32, #tpu.memory_space<hbm>> -> memref<128x128xf32, #tpu.memory_space<hbm>>
        %dma_wait3A_27 = arith.constant 0 : i32
        %dma_wait3A_28 = tpu.memref_slice %arg5[%add3A_10, %dma_wait3A_27] : memref<16384x128xf32, #tpu.memory_space<hbm>> -> memref<128x128xf32, #tpu.memory_space<hbm>>
        tpu.wait_dma2 semaphore(%run_scoped3A : memref<!tpu.dma_semaphore, #tpu.memory_space<semaphore_mem>>) src(%arg9 : memref<128x128xf32, #tpu.memory_space<vmem>>) dst(%dma_wait3A_28 : memref<128x128xf32, #tpu.memory_space<hbm>>)
        tpu.yield
      }) : () -> ()
      "tpu.region"() ({
        %run_scoped3A = tpu.sem_alloc : memref<!tpu.dma_semaphore, #tpu.memory_space<semaphore_mem>>
        %dma_start3A_21 = arith.constant 0 : i32
        %dma_start3A_22 = tpu.memref_slice %arg6[%add3A_10, %dma_start3A_21] : memref<16384x128xf32, #tpu.memory_space<hbm>> -> memref<128x128xf32, #tpu.memory_space<hbm>>
        %dma_start3A_23 = arith.constant 0 : i32
        %dma_start3A_24 = tpu.memref_slice %arg6[%add3A_10, %dma_start3A_23] : memref<16384x128xf32, #tpu.memory_space<hbm>> -> memref<128x128xf32, #tpu.memory_space<hbm>>
        tpu.enqueue_dma source(%arg10 : memref<128x128xf32, #tpu.memory_space<vmem>>) target(%dma_start3A_24 : memref<128x128xf32, #tpu.memory_space<hbm>>) target_semaphore(%run_scoped3A : memref<!tpu.dma_semaphore, #tpu.memory_space<semaphore_mem>>)
        %dma_wait3A_25 = arith.constant 0 : i32
        %dma_wait3A_26 = tpu.memref_slice %arg6[%add3A_10, %dma_wait3A_25] : memref<16384x128xf32, #tpu.memory_space<hbm>> -> memref<128x128xf32, #tpu.memory_space<hbm>>
        %dma_wait3A_27 = arith.constant 0 : i32
        %dma_wait3A_28 = tpu.memref_slice %arg6[%add3A_10, %dma_wait3A_27] : memref<16384x128xf32, #tpu.memory_space<hbm>> -> memref<128x128xf32, #tpu.memory_space<hbm>>
        tpu.wait_dma2 semaphore(%run_scoped3A : memref<!tpu.dma_semaphore, #tpu.memory_space<semaphore_mem>>) src(%arg10 : memref<128x128xf32, #tpu.memory_space<vmem>>) dst(%dma_wait3A_28 : memref<128x128xf32, #tpu.memory_space<hbm>>)
        tpu.yield
      }) : () -> ()
    }
    %scan3A_4 = arith.constant 4 : i32
    return
  }
}

#map = affine_map<(d0, d1) -> (0, 0)>
#map1 = affine_map<(d0, d1) -> (0)>
module attributes {stable_mosaic.version = 14 : i64} {
  func.func @k(%arg0: i32, %arg1: i32, %arg2: memref<16384x128xf32, #tpu.memory_space<hbm>>, %arg3: memref<16384xi32, #tpu.memory_space<hbm>>, %arg4: memref<16384xi32, #tpu.memory_space<hbm>>, %arg5: memref<16384x128xf32, #tpu.memory_space<hbm>>, %arg6: memref<16384x128xf32, #tpu.memory_space<hbm>>, %arg7: memref<128xi32, #tpu.memory_space<vmem>>, %arg8: memref<128xi32, #tpu.memory_space<vmem>>, %arg9: memref<128x128xf32, #tpu.memory_space<vmem>>, %arg10: memref<128x128xf32, #tpu.memory_space<vmem>>, %arg11: memref<!tpu.dma_semaphore, #tpu.memory_space<semaphore_mem>>, %arg12: memref<!tpu.dma_semaphore, #tpu.memory_space<semaphore_mem>>) attributes {dimension_semantics = [#tpu.dimension_semantics<core_parallel>, #tpu.dimension_semantics<subcore_parallel>], iteration_bounds = array<i64: 2, 16>, scalar_prefetch = 0 : i64, scratch_operands = 6 : i64, tpu.core_type = #tpu.core_type<sc_vector_subcore>, window_params = [{transform_indices = #map}, {transform_indices = #map1}, {transform_indices = #map1}, {transform_indices = #map}, {transform_indices = #map}]} {
    %mul3A = arith.constant 2 : i32
    %mul3A_0 = arith.muli %arg1, %mul3A : i32
    %add3A = arith.addi %mul3A_0, %arg0 : i32
    %scan3A = arith.constant 0 : i32
    %scan3A_1 = arith.constant 4 : i32
    %scan3A_2 = arith.addi %scan3A, %scan3A_1 : i32
    %scan3A_3 = arith.constant 1 : i32
    scf.for %scan3A_5 = %scan3A to %scan3A_2 step %scan3A_3  : i32 {
      %mul3A_6 = arith.constant 512 : i32
      %mul3A_7 = arith.muli %add3A, %mul3A_6 : i32
      %mul3A_8 = arith.constant 128 : i32
      %mul3A_9 = arith.muli %scan3A_5, %mul3A_8 : i32
      %add3A_10 = arith.addi %mul3A_7, %mul3A_9 : i32
      "tpu.region"() ({
        %run_scoped3A = tpu.sem_alloc : memref<!tpu.dma_semaphore, #tpu.memory_space<semaphore_mem>>
        %dma_start3A_21 = tpu.memref_slice %arg3[%add3A_10] : memref<16384xi32, #tpu.memory_space<hbm>> -> memref<128xi32, #tpu.memory_space<hbm>>
        %dma_start3A_22 = tpu.memref_slice %arg3[%add3A_10] : memref<16384xi32, #tpu.memory_space<hbm>> -> memref<128xi32, #tpu.memory_space<hbm>>
        tpu.enqueue_dma source(%dma_start3A_22 : memref<128xi32, #tpu.memory_space<hbm>>) target(%arg7 : memref<128xi32, #tpu.memory_space<vmem>>) target_semaphore(%run_scoped3A : memref<!tpu.dma_semaphore, #tpu.memory_space<semaphore_mem>>)
        %dma_wait3A_23 = tpu.memref_slice %arg3[%add3A_10] : memref<16384xi32, #tpu.memory_space<hbm>> -> memref<128xi32, #tpu.memory_space<hbm>>
        %dma_wait3A_24 = tpu.memref_slice %arg3[%add3A_10] : memref<16384xi32, #tpu.memory_space<hbm>> -> memref<128xi32, #tpu.memory_space<hbm>>
        tpu.wait_dma2 semaphore(%run_scoped3A : memref<!tpu.dma_semaphore, #tpu.memory_space<semaphore_mem>>) src(%dma_wait3A_24 : memref<128xi32, #tpu.memory_space<hbm>>) dst(%arg7 : memref<128xi32, #tpu.memory_space<vmem>>)
        tpu.yield
      }) : () -> ()
      "tpu.region"() ({
        %run_scoped3A = tpu.sem_alloc : memref<!tpu.dma_semaphore, #tpu.memory_space<semaphore_mem>>
        %dma_start3A_21 = tpu.memref_slice %arg4[%add3A_10] : memref<16384xi32, #tpu.memory_space<hbm>> -> memref<128xi32, #tpu.memory_space<hbm>>
        %dma_start3A_22 = tpu.memref_slice %arg4[%add3A_10] : memref<16384xi32, #tpu.memory_space<hbm>> -> memref<128xi32, #tpu.memory_space<hbm>>
        tpu.enqueue_dma source(%dma_start3A_22 : memref<128xi32, #tpu.memory_space<hbm>>) target(%arg8 : memref<128xi32, #tpu.memory_space<vmem>>) target_semaphore(%run_scoped3A : memref<!tpu.dma_semaphore, #tpu.memory_space<semaphore_mem>>)
        %dma_wait3A_23 = tpu.memref_slice %arg4[%add3A_10] : memref<16384xi32, #tpu.memory_space<hbm>> -> memref<128xi32, #tpu.memory_space<hbm>>
        %dma_wait3A_24 = tpu.memref_slice %arg4[%add3A_10] : memref<16384xi32, #tpu.memory_space<hbm>> -> memref<128xi32, #tpu.memory_space<hbm>>
        tpu.wait_dma2 semaphore(%run_scoped3A : memref<!tpu.dma_semaphore, #tpu.memory_space<semaphore_mem>>) src(%dma_wait3A_24 : memref<128xi32, #tpu.memory_space<hbm>>) dst(%arg8 : memref<128xi32, #tpu.memory_space<vmem>>)
        tpu.yield
      }) : () -> ()
      %dma_start3A = arith.constant 0 : i32
      %dma_start3A_11 = arith.constant 0 : i32
      %dma_start3A_12 = tpu.memref_slice %arg2[%dma_start3A, %dma_start3A_11] : memref<16384x128xf32, #tpu.memory_space<hbm>> -> memref<16384x128xf32, #tpu.memory_space<hbm>>
      tpu.enqueue_indirect_dma source(%dma_start3A_12 : memref<16384x128xf32, #tpu.memory_space<hbm>>) target(%arg9 : memref<128x128xf32, #tpu.memory_space<vmem>>) offsets(%arg7 : memref<128xi32, #tpu.memory_space<vmem>>) semaphore(%arg11 : memref<!tpu.dma_semaphore, #tpu.memory_space<semaphore_mem>>)
      %dma_start3A_13 = arith.constant 0 : i32
      %dma_start3A_14 = arith.constant 0 : i32
      %dma_start3A_15 = tpu.memref_slice %arg2[%dma_start3A_13, %dma_start3A_14] : memref<16384x128xf32, #tpu.memory_space<hbm>> -> memref<16384x128xf32, #tpu.memory_space<hbm>>
      tpu.enqueue_indirect_dma source(%dma_start3A_15 : memref<16384x128xf32, #tpu.memory_space<hbm>>) target(%arg10 : memref<128x128xf32, #tpu.memory_space<vmem>>) offsets(%arg8 : memref<128xi32, #tpu.memory_space<vmem>>) semaphore(%arg12 : memref<!tpu.dma_semaphore, #tpu.memory_space<semaphore_mem>>)
      %dma_wait3A = arith.constant 0 : i32
      %dma_wait3A_16 = arith.constant 0 : i32
      %dma_wait3A_17 = tpu.memref_slice %arg2[%dma_wait3A, %dma_wait3A_16] : memref<16384x128xf32, #tpu.memory_space<hbm>> -> memref<16384x128xf32, #tpu.memory_space<hbm>>
      tpu.wait_indirect_dma semaphore(%arg11 : memref<!tpu.dma_semaphore, #tpu.memory_space<semaphore_mem>>) src(%dma_wait3A_17 : memref<16384x128xf32, #tpu.memory_space<hbm>>) dst(%arg9 : memref<128x128xf32, #tpu.memory_space<vmem>>)
      %dma_wait3A_18 = arith.constant 0 : i32
      %dma_wait3A_19 = arith.constant 0 : i32
      %dma_wait3A_20 = tpu.memref_slice %arg2[%dma_wait3A_18, %dma_wait3A_19] : memref<16384x128xf32, #tpu.memory_space<hbm>> -> memref<16384x128xf32, #tpu.memory_space<hbm>>
      tpu.wait_indirect_dma semaphore(%arg12 : memref<!tpu.dma_semaphore, #tpu.memory_space<semaphore_mem>>) src(%dma_wait3A_20 : memref<16384x128xf32, #tpu.memory_space<hbm>>) dst(%arg10 : memref<128x128xf32, #tpu.memory_space<vmem>>)
      "tpu.region"() ({
        %run_scoped3A = tpu.sem_alloc : memref<!tpu.dma_semaphore, #tpu.memory_space<semaphore_mem>>
        %dma_start3A_21 = arith.constant 0 : i32
        %dma_start3A_22 = tpu.memref_slice %arg5[%add3A_10, %dma_start3A_21] : memref<16384x128xf32, #tpu.memory_space<hbm>> -> memref<128x128xf32, #tpu.memory_space<hbm>>
        %dma_start3A_23 = arith.constant 0 : i32
        %dma_start3A_24 = tpu.memref_slice %arg5[%add3A_10, %dma_start3A_23] : memref<16384x128xf32, #tpu.memory_space<hbm>> -> memref<128x128xf32, #tpu.memory_space<hbm>>
        tpu.enqueue_dma source(%arg9 : memref<128x128xf32, #tpu.memory_space<vmem>>) target(%dma_start3A_24 : memref<128x128xf32, #tpu.memory_space<hbm>>) target_semaphore(%run_scoped3A : memref<!tpu.dma_semaphore, #tpu.memory_space<semaphore_mem>>)
        %dma_wait3A_25 = arith.constant 0 : i32
        %dma_wait3A_26 = tpu.memref_slice %arg5[%add3A_10, %dma_wait3A_25] : memref<16384x128xf32, #tpu.memory_space<hbm>> -> memref<128x128xf32, #tpu.memory_space<hbm>>
        %dma_wait3A_27 = arith.constant 0 : i32
        %dma_wait3A_28 = tpu.memref_slice %arg5[%add3A_10, %dma_wait3A_27] : memref<16384x128xf32, #tpu.memory_space<hbm>> -> memref<128x128xf32, #tpu.memory_space<hbm>>
        tpu.wait_dma2 semaphore(%run_scoped3A : memref<!tpu.dma_semaphore, #tpu.memory_space<semaphore_mem>>) src(%arg9 : memref<128x128xf32, #tpu.memory_space<vmem>>) dst(%dma_wait3A_28 : memref<128x128xf32, #tpu.memory_space<hbm>>)
        tpu.yield
      }) : () -> ()
      "tpu.region"() ({
        %run_scoped3A = tpu.sem_alloc : memref<!tpu.dma_semaphore, #tpu.memory_space<semaphore_mem>>
        %dma_start3A_21 = arith.constant 0 : i32
        %dma_start3A_22 = tpu.memref_slice %arg6[%add3A_10, %dma_start3A_21] : memref<16384x128xf32, #tpu.memory_space<hbm>> -> memref<128x128xf32, #tpu.memory_space<hbm>>
        %dma_start3A_23 = arith.constant 0 : i32
        %dma_start3A_24 = tpu.memref_slice %arg6[%add3A_10, %dma_start3A_23] : memref<16384x128xf32, #tpu.memory_space<hbm>> -> memref<128x128xf32, #tpu.memory_space<hbm>>
        tpu.enqueue_dma source(%arg10 : memref<128x128xf32, #tpu.memory_space<vmem>>) target(%dma_start3A_24 : memref<128x128xf32, #tpu.memory_space<hbm>>) target_semaphore(%run_scoped3A : memref<!tpu.dma_semaphore, #tpu.memory_space<semaphore_mem>>)
        %dma_wait3A_25 = arith.constant 0 : i32
        %dma_wait3A_26 = tpu.memref_slice %arg6[%add3A_10, %dma_wait3A_25] : memref<16384x128xf32, #tpu.memory_space<hbm>> -> memref<128x128xf32, #tpu.memory_space<hbm>>
        %dma_wait3A_27 = arith.constant 0 : i32
        %dma_wait3A_28 = tpu.memref_slice %arg6[%add3A_10, %dma_wait3A_27] : memref<16384x128xf32, #tpu.memory_space<hbm>> -> memref<128x128xf32, #tpu.memory_space<hbm>>
        tpu.wait_dma2 semaphore(%run_scoped3A : memref<!tpu.dma_semaphore, #tpu.memory_space<semaphore_mem>>) src(%arg10 : memref<128x128xf32, #tpu.memory_space<vmem>>) dst(%dma_wait3A_28 : memref<128x128xf32, #tpu.memory_space<hbm>>)
        tpu.yield
      }) : () -> ()
    }
    %scan3A_4 = arith.constant 4 : i32
    return
  }
}

#map = affine_map<(d0, d1) -> (0, 0)>
#map1 = affine_map<(d0, d1) -> (0)>
module attributes {stable_mosaic.version = 14 : i64} {
  func.func @k(%arg0: i32, %arg1: i32, %arg2: memref<16384x128xf32, #tpu.memory_space<hbm>>, %arg3: memref<16384xi32, #tpu.memory_space<hbm>>, %arg4: memref<16384xi32, #tpu.memory_space<hbm>>, %arg5: memref<16384x128xf32, #tpu.memory_space<hbm>>, %arg6: memref<16384x128xf32, #tpu.memory_space<hbm>>, %arg7: memref<128xi32, #tpu.memory_space<vmem>>, %arg8: memref<128xi32, #tpu.memory_space<vmem>>, %arg9: memref<128x128xf32, #tpu.memory_space<vmem>>, %arg10: memref<128x128xf32, #tpu.memory_space<vmem>>, %arg11: memref<!tpu.dma_semaphore, #tpu.memory_space<semaphore_mem>>, %arg12: memref<!tpu.dma_semaphore, #tpu.memory_space<semaphore_mem>>) attributes {dimension_semantics = [#tpu.dimension_semantics<core_parallel>, #tpu.dimension_semantics<subcore_parallel>], iteration_bounds = array<i64: 2, 16>, scalar_prefetch = 0 : i64, scratch_operands = 6 : i64, tpu.core_type = #tpu.core_type<sc_vector_subcore>, window_params = [{transform_indices = #map}, {transform_indices = #map1}, {transform_indices = #map1}, {transform_indices = #map}, {transform_indices = #map}]} {
    %mul3A = arith.constant 2 : i32
    %mul3A_0 = arith.muli %arg1, %mul3A : i32
    %add3A = arith.addi %mul3A_0, %arg0 : i32
    %scan3A = arith.constant 0 : i32
    %scan3A_1 = arith.constant 4 : i32
    %scan3A_2 = arith.addi %scan3A, %scan3A_1 : i32
    %scan3A_3 = arith.constant 1 : i32
    scf.for %scan3A_5 = %scan3A to %scan3A_2 step %scan3A_3  : i32 {
      %mul3A_6 = arith.constant 512 : i32
      %mul3A_7 = arith.muli %add3A, %mul3A_6 : i32
      %mul3A_8 = arith.constant 128 : i32
      %mul3A_9 = arith.muli %scan3A_5, %mul3A_8 : i32
      %add3A_10 = arith.addi %mul3A_7, %mul3A_9 : i32
      "tpu.region"() ({
        %run_scoped3A = tpu.sem_alloc : memref<!tpu.dma_semaphore, #tpu.memory_space<semaphore_mem>>
        %dma_start3A_21 = tpu.memref_slice %arg3[%add3A_10] : memref<16384xi32, #tpu.memory_space<hbm>> -> memref<128xi32, #tpu.memory_space<hbm>>
        %dma_start3A_22 = tpu.memref_slice %arg3[%add3A_10] : memref<16384xi32, #tpu.memory_space<hbm>> -> memref<128xi32, #tpu.memory_space<hbm>>
        tpu.enqueue_dma source(%dma_start3A_22 : memref<128xi32, #tpu.memory_space<hbm>>) target(%arg7 : memref<128xi32, #tpu.memory_space<vmem>>) target_semaphore(%run_scoped3A : memref<!tpu.dma_semaphore, #tpu.memory_space<semaphore_mem>>)
        %dma_wait3A_23 = tpu.memref_slice %arg3[%add3A_10] : memref<16384xi32, #tpu.memory_space<hbm>> -> memref<128xi32, #tpu.memory_space<hbm>>
        %dma_wait3A_24 = tpu.memref_slice %arg3[%add3A_10] : memref<16384xi32, #tpu.memory_space<hbm>> -> memref<128xi32, #tpu.memory_space<hbm>>
        tpu.wait_dma2 semaphore(%run_scoped3A : memref<!tpu.dma_semaphore, #tpu.memory_space<semaphore_mem>>) src(%dma_wait3A_24 : memref<128xi32, #tpu.memory_space<hbm>>) dst(%arg7 : memref<128xi32, #tpu.memory_space<vmem>>)
        tpu.yield
      }) : () -> ()
      "tpu.region"() ({
        %run_scoped3A = tpu.sem_alloc : memref<!tpu.dma_semaphore, #tpu.memory_space<semaphore_mem>>
        %dma_start3A_21 = tpu.memref_slice %arg4[%add3A_10] : memref<16384xi32, #tpu.memory_space<hbm>> -> memref<128xi32, #tpu.memory_space<hbm>>
        %dma_start3A_22 = tpu.memref_slice %arg4[%add3A_10] : memref<16384xi32, #tpu.memory_space<hbm>> -> memref<128xi32, #tpu.memory_space<hbm>>
        tpu.enqueue_dma source(%dma_start3A_22 : memref<128xi32, #tpu.memory_space<hbm>>) target(%arg8 : memref<128xi32, #tpu.memory_space<vmem>>) target_semaphore(%run_scoped3A : memref<!tpu.dma_semaphore, #tpu.memory_space<semaphore_mem>>)
        %dma_wait3A_23 = tpu.memref_slice %arg4[%add3A_10] : memref<16384xi32, #tpu.memory_space<hbm>> -> memref<128xi32, #tpu.memory_space<hbm>>
        %dma_wait3A_24 = tpu.memref_slice %arg4[%add3A_10] : memref<16384xi32, #tpu.memory_space<hbm>> -> memref<128xi32, #tpu.memory_space<hbm>>
        tpu.wait_dma2 semaphore(%run_scoped3A : memref<!tpu.dma_semaphore, #tpu.memory_space<semaphore_mem>>) src(%dma_wait3A_24 : memref<128xi32, #tpu.memory_space<hbm>>) dst(%arg8 : memref<128xi32, #tpu.memory_space<vmem>>)
        tpu.yield
      }) : () -> ()
      %dma_start3A = arith.constant 0 : i32
      %dma_start3A_11 = arith.constant 0 : i32
      %dma_start3A_12 = tpu.memref_slice %arg2[%dma_start3A, %dma_start3A_11] : memref<16384x128xf32, #tpu.memory_space<hbm>> -> memref<16384x128xf32, #tpu.memory_space<hbm>>
      tpu.enqueue_indirect_dma source(%dma_start3A_12 : memref<16384x128xf32, #tpu.memory_space<hbm>>) target(%arg9 : memref<128x128xf32, #tpu.memory_space<vmem>>) offsets(%arg7 : memref<128xi32, #tpu.memory_space<vmem>>) semaphore(%arg11 : memref<!tpu.dma_semaphore, #tpu.memory_space<semaphore_mem>>)
      %dma_start3A_13 = arith.constant 0 : i32
      %dma_start3A_14 = arith.constant 0 : i32
      %dma_start3A_15 = tpu.memref_slice %arg2[%dma_start3A_13, %dma_start3A_14] : memref<16384x128xf32, #tpu.memory_space<hbm>> -> memref<16384x128xf32, #tpu.memory_space<hbm>>
      tpu.enqueue_indirect_dma source(%dma_start3A_15 : memref<16384x128xf32, #tpu.memory_space<hbm>>) target(%arg10 : memref<128x128xf32, #tpu.memory_space<vmem>>) offsets(%arg8 : memref<128xi32, #tpu.memory_space<vmem>>) semaphore(%arg12 : memref<!tpu.dma_semaphore, #tpu.memory_space<semaphore_mem>>)
      %dma_wait3A = arith.constant 0 : i32
      %dma_wait3A_16 = arith.constant 0 : i32
      %dma_wait3A_17 = tpu.memref_slice %arg2[%dma_wait3A, %dma_wait3A_16] : memref<16384x128xf32, #tpu.memory_space<hbm>> -> memref<16384x128xf32, #tpu.memory_space<hbm>>
      tpu.wait_indirect_dma semaphore(%arg11 : memref<!tpu.dma_semaphore, #tpu.memory_space<semaphore_mem>>) src(%dma_wait3A_17 : memref<16384x128xf32, #tpu.memory_space<hbm>>) dst(%arg9 : memref<128x128xf32, #tpu.memory_space<vmem>>)
      %dma_wait3A_18 = arith.constant 0 : i32
      %dma_wait3A_19 = arith.constant 0 : i32
      %dma_wait3A_20 = tpu.memref_slice %arg2[%dma_wait3A_18, %dma_wait3A_19] : memref<16384x128xf32, #tpu.memory_space<hbm>> -> memref<16384x128xf32, #tpu.memory_space<hbm>>
      tpu.wait_indirect_dma semaphore(%arg12 : memref<!tpu.dma_semaphore, #tpu.memory_space<semaphore_mem>>) src(%dma_wait3A_20 : memref<16384x128xf32, #tpu.memory_space<hbm>>) dst(%arg10 : memref<128x128xf32, #tpu.memory_space<vmem>>)
      "tpu.region"() ({
        %run_scoped3A = tpu.sem_alloc : memref<!tpu.dma_semaphore, #tpu.memory_space<semaphore_mem>>
        %dma_start3A_21 = arith.constant 0 : i32
        %dma_start3A_22 = tpu.memref_slice %arg5[%add3A_10, %dma_start3A_21] : memref<16384x128xf32, #tpu.memory_space<hbm>> -> memref<128x128xf32, #tpu.memory_space<hbm>>
        %dma_start3A_23 = arith.constant 0 : i32
        %dma_start3A_24 = tpu.memref_slice %arg5[%add3A_10, %dma_start3A_23] : memref<16384x128xf32, #tpu.memory_space<hbm>> -> memref<128x128xf32, #tpu.memory_space<hbm>>
        tpu.enqueue_dma source(%arg9 : memref<128x128xf32, #tpu.memory_space<vmem>>) target(%dma_start3A_24 : memref<128x128xf32, #tpu.memory_space<hbm>>) target_semaphore(%run_scoped3A : memref<!tpu.dma_semaphore, #tpu.memory_space<semaphore_mem>>)
        %dma_wait3A_25 = arith.constant 0 : i32
        %dma_wait3A_26 = tpu.memref_slice %arg5[%add3A_10, %dma_wait3A_25] : memref<16384x128xf32, #tpu.memory_space<hbm>> -> memref<128x128xf32, #tpu.memory_space<hbm>>
        %dma_wait3A_27 = arith.constant 0 : i32
        %dma_wait3A_28 = tpu.memref_slice %arg5[%add3A_10, %dma_wait3A_27] : memref<16384x128xf32, #tpu.memory_space<hbm>> -> memref<128x128xf32, #tpu.memory_space<hbm>>
        tpu.wait_dma2 semaphore(%run_scoped3A : memref<!tpu.dma_semaphore, #tpu.memory_space<semaphore_mem>>) src(%arg9 : memref<128x128xf32, #tpu.memory_space<vmem>>) dst(%dma_wait3A_28 : memref<128x128xf32, #tpu.memory_space<hbm>>)
        tpu.yield
      }) : () -> ()
      "tpu.region"() ({
        %run_scoped3A = tpu.sem_alloc : memref<!tpu.dma_semaphore, #tpu.memory_space<semaphore_mem>>
        %dma_start3A_21 = arith.constant 0 : i32
        %dma_start3A_22 = tpu.memref_slice %arg6[%add3A_10, %dma_start3A_21] : memref<16384x128xf32, #tpu.memory_space<hbm>> -> memref<128x128xf32, #tpu.memory_space<hbm>>
        %dma_start3A_23 = arith.constant 0 : i32
        %dma_start3A_24 = tpu.memref_slice %arg6[%add3A_10, %dma_start3A_23] : memref<16384x128xf32, #tpu.memory_space<hbm>> -> memref<128x128xf32, #tpu.memory_space<hbm>>
        tpu.enqueue_dma source(%arg10 : memref<128x128xf32, #tpu.memory_space<vmem>>) target(%dma_start3A_24 : memref<128x128xf32, #tpu.memory_space<hbm>>) target_semaphore(%run_scoped3A : memref<!tpu.dma_semaphore, #tpu.memory_space<semaphore_mem>>)
        %dma_wait3A_25 = arith.constant 0 : i32
        %dma_wait3A_26 = tpu.memref_slice %arg6[%add3A_10, %dma_wait3A_25] : memref<16384x128xf32, #tpu.memory_space<hbm>> -> memref<128x128xf32, #tpu.memory_space<hbm>>
        %dma_wait3A_27 = arith.constant 0 : i32
        %dma_wait3A_28 = tpu.memref_slice %arg6[%add3A_10, %dma_wait3A_27] : memref<16384x128xf32, #tpu.memory_space<hbm>> -> memref<128x128xf32, #tpu.memory_space<hbm>>
        tpu.wait_dma2 semaphore(%run_scoped3A : memref<!tpu.dma_semaphore, #tpu.memory_space<semaphore_mem>>) src(%arg10 : memref<128x128xf32, #tpu.memory_space<vmem>>) dst(%dma_wait3A_28 : memref<128x128xf32, #tpu.memory_space<hbm>>)
        tpu.yield
      }) : () -> ()
    }
    %scan3A_4 = arith.constant 4 : i32
    return
  }
}

#map = affine_map<(d0, d1) -> (0, 0)>
#map1 = affine_map<(d0, d1) -> (0)>
module attributes {stable_mosaic.version = 14 : i64} {
  func.func @k(%arg0: i32, %arg1: i32, %arg2: memref<16384x128xf32, #tpu.memory_space<hbm>>, %arg3: memref<16384xi32, #tpu.memory_space<hbm>>, %arg4: memref<16384xi32, #tpu.memory_space<hbm>>, %arg5: memref<16384x128xf32, #tpu.memory_space<hbm>>, %arg6: memref<16384x128xf32, #tpu.memory_space<hbm>>, %arg7: memref<128xi32, #tpu.memory_space<vmem>>, %arg8: memref<128xi32, #tpu.memory_space<vmem>>, %arg9: memref<128x128xf32, #tpu.memory_space<vmem>>, %arg10: memref<128x128xf32, #tpu.memory_space<vmem>>, %arg11: memref<!tpu.dma_semaphore, #tpu.memory_space<semaphore_mem>>, %arg12: memref<!tpu.dma_semaphore, #tpu.memory_space<semaphore_mem>>) attributes {dimension_semantics = [#tpu.dimension_semantics<core_parallel>, #tpu.dimension_semantics<subcore_parallel>], iteration_bounds = array<i64: 2, 16>, scalar_prefetch = 0 : i64, scratch_operands = 6 : i64, tpu.core_type = #tpu.core_type<sc_vector_subcore>, window_params = [{transform_indices = #map}, {transform_indices = #map1}, {transform_indices = #map1}, {transform_indices = #map}, {transform_indices = #map}]} {
    %mul3A = arith.constant 2 : i32
    %mul3A_0 = arith.muli %arg1, %mul3A : i32
    %add3A = arith.addi %mul3A_0, %arg0 : i32
    %scan3A = arith.constant 0 : i32
    %scan3A_1 = arith.constant 4 : i32
    %scan3A_2 = arith.addi %scan3A, %scan3A_1 : i32
    %scan3A_3 = arith.constant 1 : i32
    scf.for %scan3A_5 = %scan3A to %scan3A_2 step %scan3A_3  : i32 {
      %mul3A_6 = arith.constant 512 : i32
      %mul3A_7 = arith.muli %add3A, %mul3A_6 : i32
      %mul3A_8 = arith.constant 128 : i32
      %mul3A_9 = arith.muli %scan3A_5, %mul3A_8 : i32
      %add3A_10 = arith.addi %mul3A_7, %mul3A_9 : i32
      "tpu.region"() ({
        %run_scoped3A = tpu.sem_alloc : memref<!tpu.dma_semaphore, #tpu.memory_space<semaphore_mem>>
        %dma_start3A_21 = tpu.memref_slice %arg3[%add3A_10] : memref<16384xi32, #tpu.memory_space<hbm>> -> memref<128xi32, #tpu.memory_space<hbm>>
        %dma_start3A_22 = tpu.memref_slice %arg3[%add3A_10] : memref<16384xi32, #tpu.memory_space<hbm>> -> memref<128xi32, #tpu.memory_space<hbm>>
        tpu.enqueue_dma source(%dma_start3A_22 : memref<128xi32, #tpu.memory_space<hbm>>) target(%arg7 : memref<128xi32, #tpu.memory_space<vmem>>) target_semaphore(%run_scoped3A : memref<!tpu.dma_semaphore, #tpu.memory_space<semaphore_mem>>)
        %dma_wait3A_23 = tpu.memref_slice %arg3[%add3A_10] : memref<16384xi32, #tpu.memory_space<hbm>> -> memref<128xi32, #tpu.memory_space<hbm>>
        %dma_wait3A_24 = tpu.memref_slice %arg3[%add3A_10] : memref<16384xi32, #tpu.memory_space<hbm>> -> memref<128xi32, #tpu.memory_space<hbm>>
        tpu.wait_dma2 semaphore(%run_scoped3A : memref<!tpu.dma_semaphore, #tpu.memory_space<semaphore_mem>>) src(%dma_wait3A_24 : memref<128xi32, #tpu.memory_space<hbm>>) dst(%arg7 : memref<128xi32, #tpu.memory_space<vmem>>)
        tpu.yield
      }) : () -> ()
      "tpu.region"() ({
        %run_scoped3A = tpu.sem_alloc : memref<!tpu.dma_semaphore, #tpu.memory_space<semaphore_mem>>
        %dma_start3A_21 = tpu.memref_slice %arg4[%add3A_10] : memref<16384xi32, #tpu.memory_space<hbm>> -> memref<128xi32, #tpu.memory_space<hbm>>
        %dma_start3A_22 = tpu.memref_slice %arg4[%add3A_10] : memref<16384xi32, #tpu.memory_space<hbm>> -> memref<128xi32, #tpu.memory_space<hbm>>
        tpu.enqueue_dma source(%dma_start3A_22 : memref<128xi32, #tpu.memory_space<hbm>>) target(%arg8 : memref<128xi32, #tpu.memory_space<vmem>>) target_semaphore(%run_scoped3A : memref<!tpu.dma_semaphore, #tpu.memory_space<semaphore_mem>>)
        %dma_wait3A_23 = tpu.memref_slice %arg4[%add3A_10] : memref<16384xi32, #tpu.memory_space<hbm>> -> memref<128xi32, #tpu.memory_space<hbm>>
        %dma_wait3A_24 = tpu.memref_slice %arg4[%add3A_10] : memref<16384xi32, #tpu.memory_space<hbm>> -> memref<128xi32, #tpu.memory_space<hbm>>
        tpu.wait_dma2 semaphore(%run_scoped3A : memref<!tpu.dma_semaphore, #tpu.memory_space<semaphore_mem>>) src(%dma_wait3A_24 : memref<128xi32, #tpu.memory_space<hbm>>) dst(%arg8 : memref<128xi32, #tpu.memory_space<vmem>>)
        tpu.yield
      }) : () -> ()
      %dma_start3A = arith.constant 0 : i32
      %dma_start3A_11 = arith.constant 0 : i32
      %dma_start3A_12 = tpu.memref_slice %arg2[%dma_start3A, %dma_start3A_11] : memref<16384x128xf32, #tpu.memory_space<hbm>> -> memref<16384x128xf32, #tpu.memory_space<hbm>>
      tpu.enqueue_indirect_dma source(%dma_start3A_12 : memref<16384x128xf32, #tpu.memory_space<hbm>>) target(%arg9 : memref<128x128xf32, #tpu.memory_space<vmem>>) offsets(%arg7 : memref<128xi32, #tpu.memory_space<vmem>>) semaphore(%arg11 : memref<!tpu.dma_semaphore, #tpu.memory_space<semaphore_mem>>)
      %dma_start3A_13 = arith.constant 0 : i32
      %dma_start3A_14 = arith.constant 0 : i32
      %dma_start3A_15 = tpu.memref_slice %arg2[%dma_start3A_13, %dma_start3A_14] : memref<16384x128xf32, #tpu.memory_space<hbm>> -> memref<16384x128xf32, #tpu.memory_space<hbm>>
      tpu.enqueue_indirect_dma source(%dma_start3A_15 : memref<16384x128xf32, #tpu.memory_space<hbm>>) target(%arg10 : memref<128x128xf32, #tpu.memory_space<vmem>>) offsets(%arg8 : memref<128xi32, #tpu.memory_space<vmem>>) semaphore(%arg12 : memref<!tpu.dma_semaphore, #tpu.memory_space<semaphore_mem>>)
      %dma_wait3A = arith.constant 0 : i32
      %dma_wait3A_16 = arith.constant 0 : i32
      %dma_wait3A_17 = tpu.memref_slice %arg2[%dma_wait3A, %dma_wait3A_16] : memref<16384x128xf32, #tpu.memory_space<hbm>> -> memref<16384x128xf32, #tpu.memory_space<hbm>>
      tpu.wait_indirect_dma semaphore(%arg11 : memref<!tpu.dma_semaphore, #tpu.memory_space<semaphore_mem>>) src(%dma_wait3A_17 : memref<16384x128xf32, #tpu.memory_space<hbm>>) dst(%arg9 : memref<128x128xf32, #tpu.memory_space<vmem>>)
      %dma_wait3A_18 = arith.constant 0 : i32
      %dma_wait3A_19 = arith.constant 0 : i32
      %dma_wait3A_20 = tpu.memref_slice %arg2[%dma_wait3A_18, %dma_wait3A_19] : memref<16384x128xf32, #tpu.memory_space<hbm>> -> memref<16384x128xf32, #tpu.memory_space<hbm>>
      tpu.wait_indirect_dma semaphore(%arg12 : memref<!tpu.dma_semaphore, #tpu.memory_space<semaphore_mem>>) src(%dma_wait3A_20 : memref<16384x128xf32, #tpu.memory_space<hbm>>) dst(%arg10 : memref<128x128xf32, #tpu.memory_space<vmem>>)
      "tpu.region"() ({
        %run_scoped3A = tpu.sem_alloc : memref<!tpu.dma_semaphore, #tpu.memory_space<semaphore_mem>>
        %dma_start3A_21 = arith.constant 0 : i32
        %dma_start3A_22 = tpu.memref_slice %arg5[%add3A_10, %dma_start3A_21] : memref<16384x128xf32, #tpu.memory_space<hbm>> -> memref<128x128xf32, #tpu.memory_space<hbm>>
        %dma_start3A_23 = arith.constant 0 : i32
        %dma_start3A_24 = tpu.memref_slice %arg5[%add3A_10, %dma_start3A_23] : memref<16384x128xf32, #tpu.memory_space<hbm>> -> memref<128x128xf32, #tpu.memory_space<hbm>>
        tpu.enqueue_dma source(%arg9 : memref<128x128xf32, #tpu.memory_space<vmem>>) target(%dma_start3A_24 : memref<128x128xf32, #tpu.memory_space<hbm>>) target_semaphore(%run_scoped3A : memref<!tpu.dma_semaphore, #tpu.memory_space<semaphore_mem>>)
        %dma_wait3A_25 = arith.constant 0 : i32
        %dma_wait3A_26 = tpu.memref_slice %arg5[%add3A_10, %dma_wait3A_25] : memref<16384x128xf32, #tpu.memory_space<hbm>> -> memref<128x128xf32, #tpu.memory_space<hbm>>
        %dma_wait3A_27 = arith.constant 0 : i32
        %dma_wait3A_28 = tpu.memref_slice %arg5[%add3A_10, %dma_wait3A_27] : memref<16384x128xf32, #tpu.memory_space<hbm>> -> memref<128x128xf32, #tpu.memory_space<hbm>>
        tpu.wait_dma2 semaphore(%run_scoped3A : memref<!tpu.dma_semaphore, #tpu.memory_space<semaphore_mem>>) src(%arg9 : memref<128x128xf32, #tpu.memory_space<vmem>>) dst(%dma_wait3A_28 : memref<128x128xf32, #tpu.memory_space<hbm>>)
        tpu.yield
      }) : () -> ()
      "tpu.region"() ({
        %run_scoped3A = tpu.sem_alloc : memref<!tpu.dma_semaphore, #tpu.memory_space<semaphore_mem>>
        %dma_start3A_21 = arith.constant 0 : i32
        %dma_start3A_22 = tpu.memref_slice %arg6[%add3A_10, %dma_start3A_21] : memref<16384x128xf32, #tpu.memory_space<hbm>> -> memref<128x128xf32, #tpu.memory_space<hbm>>
        %dma_start3A_23 = arith.constant 0 : i32
        %dma_start3A_24 = tpu.memref_slice %arg6[%add3A_10, %dma_start3A_23] : memref<16384x128xf32, #tpu.memory_space<hbm>> -> memref<128x128xf32, #tpu.memory_space<hbm>>
        tpu.enqueue_dma source(%arg10 : memref<128x128xf32, #tpu.memory_space<vmem>>) target(%dma_start3A_24 : memref<128x128xf32, #tpu.memory_space<hbm>>) target_semaphore(%run_scoped3A : memref<!tpu.dma_semaphore, #tpu.memory_space<semaphore_mem>>)
        %dma_wait3A_25 = arith.constant 0 : i32
        %dma_wait3A_26 = tpu.memref_slice %arg6[%add3A_10, %dma_wait3A_25] : memref<16384x128xf32, #tpu.memory_space<hbm>> -> memref<128x128xf32, #tpu.memory_space<hbm>>
        %dma_wait3A_27 = arith.constant 0 : i32
        %dma_wait3A_28 = tpu.memref_slice %arg6[%add3A_10, %dma_wait3A_27] : memref<16384x128xf32, #tpu.memory_space<hbm>> -> memref<128x128xf32, #tpu.memory_space<hbm>>
        tpu.wait_dma2 semaphore(%run_scoped3A : memref<!tpu.dma_semaphore, #tpu.memory_space<semaphore_mem>>) src(%arg10 : memref<128x128xf32, #tpu.memory_space<vmem>>) dst(%dma_wait3A_28 : memref<128x128xf32, #tpu.memory_space<hbm>>)
        tpu.yield
      }) : () -> ()
    }
    %scan3A_4 = arith.constant 4 : i32
    return
  }
}

module attributes {stable_mosaic.version = 14 : i64} {
  func.func @_pack_body(%arg0: i32, %arg1: memref<2048x256xf32, #tpu.memory_space<vmem>>, %arg2: memref<2048x128xf32, #tpu.memory_space<vmem>>) attributes {dimension_semantics = [#tpu.dimension_semantics<arbitrary>], iteration_bounds = array<i64: 8>, scalar_prefetch = 0 : i64, scratch_operands = 0 : i64, tpu.core_type = #tpu.core_type<tc>, window_params = [{transform_indices = @transform_0, window_bounds = array<i64: 2048, 256>}, {transform_indices = @transform_1, window_bounds = array<i64: 2048, 128>}]} {
    %get3A = arith.constant 0 : index
    %get3A_0 = arith.constant 0 : index
    %get3A_1 = vector.load %arg1[%get3A, %get3A_0] : memref<2048x256xf32, #tpu.memory_space<vmem>>, vector<2048x256xf32>
    %slice3A = vector.extract_strided_slice %get3A_1 {offsets = [0, 0], sizes = [2048, 128], strides = [1, 1]} : vector<2048x256xf32> to vector<2048x128xf32>
    %convert_element_type3A = arith.truncf %slice3A : vector<2048x128xf32> to vector<2048x128xbf16>
    %bitcast_convert_type3A = tpu.bitcast %convert_element_type3A : vector<2048x128xbf16> -> vector<2048x128xi16>
    %convert_element_type3A_2 = arith.extui %bitcast_convert_type3A : vector<2048x128xi16> to vector<2048x128xi32>
    %slice3A_3 = vector.extract_strided_slice %get3A_1 {offsets = [0, 128], sizes = [2048, 128], strides = [1, 1]} : vector<2048x256xf32> to vector<2048x128xf32>
    %convert_element_type3A_4 = arith.truncf %slice3A_3 : vector<2048x128xf32> to vector<2048x128xbf16>
    %bitcast_convert_type3A_5 = tpu.bitcast %convert_element_type3A_4 : vector<2048x128xbf16> -> vector<2048x128xi16>
    %convert_element_type3A_6 = arith.extui %bitcast_convert_type3A_5 : vector<2048x128xi16> to vector<2048x128xi32>
    %shift_left3A = arith.constant 16 : i32
    %shift_left3A_7 = vector.broadcast %shift_left3A : i32 to vector<2048x128xi32>
    %shift_left3A_8 = arith.shli %convert_element_type3A_6, %shift_left3A_7 : vector<2048x128xi32>
    %or3A = arith.ori %convert_element_type3A_2, %shift_left3A_8 : vector<2048x128xi32>
    %bitcast_convert_type3A_9 = tpu.bitcast %or3A : vector<2048x128xi32> -> vector<2048x128xf32>
    %swap3A = arith.constant 0 : index
    %swap3A_10 = arith.constant 0 : index
    %swap3A_11 = vector.load %arg2[%swap3A, %swap3A_10] : memref<2048x128xf32, #tpu.memory_space<vmem>>, vector<2048x128xf32>
    tpu.vector_store %arg2[%swap3A, %swap3A_10], %bitcast_convert_type3A_9 {strides = array<i32>} : memref<2048x128xf32, #tpu.memory_space<vmem>>, vector<2048x128xf32>,
    return
  }
  func.func @transform_0(%arg0: i32) -> (i32, i32) {
    %c0_i32 = arith.constant 0 : i32
    %c0_i32_0 = arith.constant 0 : i32
    return %arg0, %c0_i32 : i32, i32
  }
  func.func @transform_1(%arg0: i32) -> (i32, i32) {
    %c0_i32 = arith.constant 0 : i32
    %c0_i32_0 = arith.constant 0 : i32
    return %arg0, %c0_i32 : i32, i32
  }
}

module attributes {stable_mosaic.version = 14 : i64} {
  func.func @_ffnn_body(%arg0: i32, %arg1: memref<2048x128xf32, #tpu.memory_space<vmem>>, %arg2: memref<2048x128xf32, #tpu.memory_space<vmem>>, %arg3: memref<1x1x2048xi32, #tpu.memory_space<vmem>>, %arg4: memref<1x1x2048xi32, #tpu.memory_space<vmem>>, %arg5: memref<1x1x2048xi32, #tpu.memory_space<vmem>>, %arg6: memref<1x1x2048xi32, #tpu.memory_space<vmem>>, %arg7: memref<1x1x2048xi32, #tpu.memory_space<vmem>>, %arg8: memref<128x128xf32, #tpu.memory_space<vmem>>, %arg9: memref<10x20xf32, #tpu.memory_space<vmem>>, %arg10: memref<8x20xf32, #tpu.memory_space<vmem>>, %arg11: memref<3x20xf32, #tpu.memory_space<vmem>>, %arg12: memref<512x150xf32, #tpu.memory_space<vmem>>, %arg13: memref<256x150xf32, #tpu.memory_space<vmem>>, %arg14: memref<20x150xf32, #tpu.memory_space<vmem>>, %arg15: memref<20x150xf32, #tpu.memory_space<vmem>>, %arg16: memref<20x150xf32, #tpu.memory_space<vmem>>, %arg17: memref<1x150xf32, #tpu.memory_space<vmem>>, %arg18: memref<150x150xf32, #tpu.memory_space<vmem>>, %arg19: memref<1x150xf32, #tpu.memory_space<vmem>>, %arg20: memref<150x1xf32, #tpu.memory_space<vmem>>, %arg21: memref<1x1xf32, #tpu.memory_space<vmem>>, %arg22: memref<1x1x2048xf32, #tpu.memory_space<vmem>>) attributes {dimension_semantics = [#tpu.dimension_semantics<arbitrary>], iteration_bounds = array<i64: 8>, scalar_prefetch = 0 : i64, scratch_operands = 0 : i64, tpu.core_type = #tpu.core_type<tc>, window_params = [{transform_indices = @transform_0, window_bounds = array<i64: 2048, 128>}, {transform_indices = @transform_1, window_bounds = array<i64: 2048, 128>}, {transform_indices = @transform_2, window_bounds = array<i64: 1, 1, 2048>}, {transform_indices = @transform_3, window_bounds = array<i64: 1, 1, 2048>}, {transform_indices = @transform_4, window_bounds = array<i64: 1, 1, 2048>}, {transform_indices = @transform_5, window_bounds = array<i64: 1, 1, 2048>}, {transform_indices = @transform_6, window_bounds = array<i64: 1, 1, 2048>}, {pipeline_mode = #tpu.pipeline_mode<synchronous>, transform_indices = @transform_7, window_bounds = array<i64: 128, 128>}, {pipeline_mode = #tpu.pipeline_mode<synchronous>, transform_indices = @transform_8, window_bounds = array<i64: 10, 20>}, {pipeline_mode = #tpu.pipeline_mode<synchronous>, transform_indices = @transform_9, window_bounds = array<i64: 8, 20>}, {pipeline_mode = #tpu.pipeline_mode<synchronous>, transform_indices = @transform_10, window_bounds = array<i64: 3, 20>}, {pipeline_mode = #tpu.pipeline_mode<synchronous>, transform_indices = @transform_11, window_bounds = array<i64: 512, 150>}, {pipeline_mode = #tpu.pipeline_mode<synchronous>, transform_indices = @transform_12, window_bounds = array<i64: 256, 150>}, {pipeline_mode = #tpu.pipeline_mode<synchronous>, transform_indices = @transform_13, window_bounds = array<i64: 20, 150>}, {pipeline_mode = #tpu.pipeline_mode<synchronous>, transform_indices = @transform_14, window_bounds = array<i64: 20, 150>}, {pipeline_mode = #tpu.pipeline_mode<synchronous>, transform_indices = @transform_15, window_bounds = array<i64: 20, 150>}, {pipeline_mode = #tpu.pipeline_mode<synchronous>, transform_indices = @transform_16, window_bounds = array<i64: 1, 150>}, {pipeline_mode = #tpu.pipeline_mode<synchronous>, transform_indices = @transform_17, window_bounds = array<i64: 150, 150>}, {pipeline_mode = #tpu.pipeline_mode<synchronous>, transform_indices = @transform_18, window_bounds = array<i64: 1, 150>}, {pipeline_mode = #tpu.pipeline_mode<synchronous>, transform_indices = @transform_19, window_bounds = array<i64: 150, 1>}, {pipeline_mode = #tpu.pipeline_mode<synchronous>, transform_indices = @transform_20, window_bounds = array<i64: 1, 1>}, {transform_indices = @transform_21, window_bounds = array<i64: 1, 1, 2048>}]} {
    %get3A = arith.constant 0 : index
    %get3A_0 = arith.constant 0 : index
    %get3A_1 = arith.constant 0 : index
    %get3A_2 = vector.load %arg3[%get3A, %get3A_0, %get3A_1] : memref<1x1x2048xi32, #tpu.memory_space<vmem>>, vector<1x1x2048xi32>
    %reshape3A = vector.shape_cast %get3A_2 : vector<1x1x2048xi32> to vector<2048x1xi32>
    %get3A_3 = arith.constant 0 : index
    %get3A_4 = arith.constant 0 : index
    %get3A_5 = arith.constant 0 : index
    %get3A_6 = vector.load %arg4[%get3A_3, %get3A_4, %get3A_5] : memref<1x1x2048xi32, #tpu.memory_space<vmem>>, vector<1x1x2048xi32>
    %reshape3A_7 = vector.shape_cast %get3A_6 : vector<1x1x2048xi32> to vector<2048x1xi32>
    %get3A_8 = arith.constant 0 : index
    %get3A_9 = arith.constant 0 : index
    %get3A_10 = arith.constant 0 : index
    %get3A_11 = vector.load %arg5[%get3A_8, %get3A_9, %get3A_10] : memref<1x1x2048xi32, #tpu.memory_space<vmem>>, vector<1x1x2048xi32>
    %reshape3A_12 = vector.shape_cast %get3A_11 : vector<1x1x2048xi32> to vector<2048x1xi32>
    %get3A_13 = arith.constant 0 : index
    %get3A_14 = arith.constant 0 : index
    %get3A_15 = arith.constant 0 : index
    %get3A_16 = vector.load %arg6[%get3A_13, %get3A_14, %get3A_15] : memref<1x1x2048xi32, #tpu.memory_space<vmem>>, vector<1x1x2048xi32>
    %reshape3A_17 = vector.shape_cast %get3A_16 : vector<1x1x2048xi32> to vector<2048x1xi32>
    %get3A_18 = arith.constant 0 : index
    %get3A_19 = arith.constant 0 : index
    %get3A_20 = arith.constant 0 : index
    %get3A_21 = vector.load %arg7[%get3A_18, %get3A_19, %get3A_20] : memref<1x1x2048xi32, #tpu.memory_space<vmem>>, vector<1x1x2048xi32>
    %reshape3A_22 = vector.shape_cast %get3A_21 : vector<1x1x2048xi32> to vector<2048x1xi32>
    %get3A_23 = arith.constant 0 : index
    %get3A_24 = arith.constant 0 : index
    %get3A_25 = vector.load %arg1[%get3A_23, %get3A_24] : memref<2048x128xf32, #tpu.memory_space<vmem>>, vector<2048x128xf32>
    %bitcast_convert_type3A = tpu.bitcast %get3A_25 : vector<2048x128xf32> -> vector<2048x128xi32>
    %get3A_26 = arith.constant 0 : index
    %get3A_27 = arith.constant 0 : index
    %get3A_28 = vector.load %arg2[%get3A_26, %get3A_27] : memref<2048x128xf32, #tpu.memory_space<vmem>>, vector<2048x128xf32>
    %bitcast_convert_type3A_29 = tpu.bitcast %get3A_28 : vector<2048x128xf32> -> vector<2048x128xi32>
    %shift_left3A = arith.constant 16 : i32
    %shift_left3A_30 = vector.broadcast %shift_left3A : i32 to vector<2048x128xi32>
    %shift_left3A_31 = arith.shli %bitcast_convert_type3A, %shift_left3A_30 : vector<2048x128xi32>
    %bitcast_convert_type3A_32 = tpu.bitcast %shift_left3A_31 : vector<2048x128xi32> -> vector<2048x128xf32>
    %and3A = arith.constant -65536 : i32
    %and3A_33 = vector.broadcast %and3A : i32 to vector<2048x128xi32>
    %and3A_34 = arith.andi %bitcast_convert_type3A, %and3A_33 : vector<2048x128xi32>
    %bitcast_convert_type3A_35 = tpu.bitcast %and3A_34 : vector<2048x128xi32> -> vector<2048x128xf32>
    %shift_left3A_36 = arith.constant 16 : i32
    %shift_left3A_37 = vector.broadcast %shift_left3A_36 : i32 to vector<2048x128xi32>
    %shift_left3A_38 = arith.shli %bitcast_convert_type3A_29, %shift_left3A_37 : vector<2048x128xi32>
    %bitcast_convert_type3A_39 = tpu.bitcast %shift_left3A_38 : vector<2048x128xi32> -> vector<2048x128xf32>
    %and3A_40 = arith.constant -65536 : i32
    %and3A_41 = vector.broadcast %and3A_40 : i32 to vector<2048x128xi32>
    %and3A_42 = arith.andi %bitcast_convert_type3A_29, %and3A_41 : vector<2048x128xi32>
    %bitcast_convert_type3A_43 = tpu.bitcast %and3A_42 : vector<2048x128xi32> -> vector<2048x128xf32>
    %get3A_44 = arith.constant 0 : index
    %get3A_45 = arith.constant 0 : index
    %get3A_46 = vector.load %arg8[%get3A_44, %get3A_45] : memref<128x128xf32, #tpu.memory_space<vmem>>, vector<128x128xf32>
    %shift_right_arithmetic3A = arith.constant 7 : i32
    %shift_right_arithmetic3A_47 = vector.broadcast %shift_right_arithmetic3A : i32 to vector<2048x1xi32>
    %shift_right_arithmetic3A_48 = arith.shrsi %reshape3A, %shift_right_arithmetic3A_47 : vector<2048x1xi32>
    %and3A_49 = arith.constant 127 : i32
    %and3A_50 = vector.broadcast %and3A_49 : i32 to vector<2048x1xi32>
    %and3A_51 = arith.andi %reshape3A, %and3A_50 : vector<2048x1xi32>
    %iota3A = tpu.iota {dimensions = array<i32: 1>} : vector<1x128xi32>
    %eq3A = vector.broadcast %shift_right_arithmetic3A_48 : vector<2048x1xi32> to vector<2048x128xi32>
    %eq3A_52 = vector.broadcast %iota3A : vector<1x128xi32> to vector<2048x128xi32>
    %eq3A_53 = arith.cmpi eq, %eq3A, %eq3A_52 : vector<2048x128xi32>
    %convert_element_type3A = arith.extui %eq3A_53 : vector<2048x128xi1> to vector<2048x128xi32>
    %convert_element_type3A_54 = arith.sitofp %convert_element_type3A : vector<2048x128xi32> to vector<2048x128xf32>
    %dot_general3A = arith.constant dense<0.000000e+00> : vector<2048x128xf32>
    %dot_general3A_55 = tpu.matmul %convert_element_type3A_54, %get3A_46, %dot_general3A {dimension_numbers = #tpu.dot_dimension_numbers<[1], [0], [0], [1], [0, 0, 1, 1], [], []>, transpose_lhs_hint = false} : vector<2048x128xf32>, vector<128x128xf32>, vector<2048x128xf32> -> vector<2048x128xf32>
    %iota3A_56 = tpu.iota {dimensions = array<i32: 1>} : vector<1x128xi32>
    %eq3A_57 = vector.broadcast %and3A_51 : vector<2048x1xi32> to vector<2048x128xi32>
    %eq3A_58 = vector.broadcast %iota3A_56 : vector<1x128xi32> to vector<2048x128xi32>
    %eq3A_59 = arith.cmpi eq, %eq3A_57, %eq3A_58 : vector<2048x128xi32>
    %convert_element_type3A_60 = arith.extui %eq3A_59 : vector<2048x128xi1> to vector<2048x128xi32>
    %convert_element_type3A_61 = arith.sitofp %convert_element_type3A_60 : vector<2048x128xi32> to vector<2048x128xf32>
    %mul3A = arith.mulf %dot_general3A_55, %convert_element_type3A_61 : vector<2048x128xf32>
    %reduce_sum3A = arith.constant dense<0.000000e+00> : vector<2048xf32>
    %reduce_sum3A_62 = vector.multi_reduction <add>, %mul3A, %reduce_sum3A [1] : vector<2048x128xf32> to vector<2048xf32>
    %broadcast_in_dim3A = vector.shape_cast %reduce_sum3A_62 : vector<2048xf32> to vector<2048x1xf32>
    %get3A_63 = arith.constant 0 : index
    %get3A_64 = arith.constant 0 : index
    %get3A_65 = vector.load %arg8[%get3A_63, %get3A_64] : memref<128x128xf32, #tpu.memory_space<vmem>>, vector<128x128xf32>
    %shift_right_arithmetic3A_66 = arith.constant 7 : i32
    %shift_right_arithmetic3A_67 = vector.broadcast %shift_right_arithmetic3A_66 : i32 to vector<2048x1xi32>
    %shift_right_arithmetic3A_68 = arith.shrsi %reshape3A_7, %shift_right_arithmetic3A_67 : vector<2048x1xi32>
    %and3A_69 = arith.constant 127 : i32
    %and3A_70 = vector.broadcast %and3A_69 : i32 to vector<2048x1xi32>
    %and3A_71 = arith.andi %reshape3A_7, %and3A_70 : vector<2048x1xi32>
    %iota3A_72 = tpu.iota {dimensions = array<i32: 1>} : vector<1x128xi32>
    %eq3A_73 = vector.broadcast %shift_right_arithmetic3A_68 : vector<2048x1xi32> to vector<2048x128xi32>
    %eq3A_74 = vector.broadcast %iota3A_72 : vector<1x128xi32> to vector<2048x128xi32>
    %eq3A_75 = arith.cmpi eq, %eq3A_73, %eq3A_74 : vector<2048x128xi32>
    %convert_element_type3A_76 = arith.extui %eq3A_75 : vector<2048x128xi1> to vector<2048x128xi32>
    %convert_element_type3A_77 = arith.sitofp %convert_element_type3A_76 : vector<2048x128xi32> to vector<2048x128xf32>
    %dot_general3A_78 = arith.constant dense<0.000000e+00> : vector<2048x128xf32>
    %dot_general3A_79 = tpu.matmul %convert_element_type3A_77, %get3A_65, %dot_general3A_78 {dimension_numbers = #tpu.dot_dimension_numbers<[1], [0], [0], [1], [0, 0, 1, 1], [], []>, transpose_lhs_hint = false} : vector<2048x128xf32>, vector<128x128xf32>, vector<2048x128xf32> -> vector<2048x128xf32>
    %iota3A_80 = tpu.iota {dimensions = array<i32: 1>} : vector<1x128xi32>
    %eq3A_81 = vector.broadcast %and3A_71 : vector<2048x1xi32> to vector<2048x128xi32>
    %eq3A_82 = vector.broadcast %iota3A_80 : vector<1x128xi32> to vector<2048x128xi32>
    %eq3A_83 = arith.cmpi eq, %eq3A_81, %eq3A_82 : vector<2048x128xi32>
    %convert_element_type3A_84 = arith.extui %eq3A_83 : vector<2048x128xi1> to vector<2048x128xi32>
    %convert_element_type3A_85 = arith.sitofp %convert_element_type3A_84 : vector<2048x128xi32> to vector<2048x128xf32>
    %mul3A_86 = arith.mulf %dot_general3A_79, %convert_element_type3A_85 : vector<2048x128xf32>
    %reduce_sum3A_87 = arith.constant dense<0.000000e+00> : vector<2048xf32>
    %reduce_sum3A_88 = vector.multi_reduction <add>, %mul3A_86, %reduce_sum3A_87 [1] : vector<2048x128xf32> to vector<2048xf32>
    %broadcast_in_dim3A_89 = vector.shape_cast %reduce_sum3A_88 : vector<2048xf32> to vector<2048x1xf32>
    %concatenate3A = tpu.concatenate %bitcast_convert_type3A_32, %bitcast_convert_type3A_35, %bitcast_convert_type3A_39, %bitcast_convert_type3A_43 in 1 : vector<2048x128xf32>, vector<2048x128xf32>, vector<2048x128xf32>, vector<2048x128xf32> -> vector<2048x512xf32>
    %get3A_90 = arith.constant 0 : index
    %get3A_91 = arith.constant 0 : index
    %get3A_92 = vector.load %arg12[%get3A_90, %get3A_91] : memref<512x150xf32, #tpu.memory_space<vmem>>, vector<512x150xf32>
    %dot_general3A_93 = arith.constant dense<0.000000e+00> : vector<2048x150xf32>
    %dot_general3A_94 = tpu.matmul %concatenate3A, %get3A_92, %dot_general3A_93 {dimension_numbers = #tpu.dot_dimension_numbers<[1], [0], [0], [1], [0, 0, 1, 1], [], []>, transpose_lhs_hint = false} : vector<2048x512xf32>, vector<512x150xf32>, vector<2048x150xf32> -> vector<2048x150xf32>
    %mul3A_95 = arith.mulf %bitcast_convert_type3A_32, %bitcast_convert_type3A_39 : vector<2048x128xf32>
    %mul3A_96 = arith.mulf %bitcast_convert_type3A_35, %bitcast_convert_type3A_43 : vector<2048x128xf32>
    %concatenate3A_97 = tpu.concatenate %mul3A_95, %mul3A_96 in 1 : vector<2048x128xf32>, vector<2048x128xf32> -> vector<2048x256xf32>
    %get3A_98 = arith.constant 0 : index
    %get3A_99 = arith.constant 0 : index
    %get3A_100 = vector.load %arg13[%get3A_98, %get3A_99] : memref<256x150xf32, #tpu.memory_space<vmem>>, vector<256x150xf32>
    %dot_general3A_101 = arith.constant dense<0.000000e+00> : vector<2048x150xf32>
    %dot_general3A_102 = tpu.matmul %concatenate3A_97, %get3A_100, %dot_general3A_101 {dimension_numbers = #tpu.dot_dimension_numbers<[1], [0], [0], [1], [0, 0, 1, 1], [], []>, transpose_lhs_hint = false} : vector<2048x256xf32>, vector<256x150xf32>, vector<2048x150xf32> -> vector<2048x150xf32>
    %add3A = arith.addf %dot_general3A_94, %dot_general3A_102 : vector<2048x150xf32>
    %get3A_103 = arith.constant 0 : index
    %get3A_104 = arith.constant 0 : index
    %get3A_105 = vector.load %arg9[%get3A_103, %get3A_104] : memref<10x20xf32, #tpu.memory_space<vmem>>, vector<10x20xf32>
    %get3A_106 = arith.constant 0 : index
    %get3A_107 = arith.constant 0 : index
    %get3A_108 = vector.load %arg14[%get3A_106, %get3A_107] : memref<20x150xf32, #tpu.memory_space<vmem>>, vector<20x150xf32>
    %dot_general3A_109 = arith.constant dense<0.000000e+00> : vector<10x150xf32>
    %dot_general3A_110 = tpu.matmul %get3A_105, %get3A_108, %dot_general3A_109 {dimension_numbers = #tpu.dot_dimension_numbers<[1], [0], [0], [1], [0, 0, 1, 1], [], []>, transpose_lhs_hint = false} : vector<10x20xf32>, vector<20x150xf32>, vector<10x150xf32> -> vector<10x150xf32>
    %get3A_111 = arith.constant 0 : index
    %get3A_112 = arith.constant 0 : index
    %get3A_113 = vector.load %arg10[%get3A_111, %get3A_112] : memref<8x20xf32, #tpu.memory_space<vmem>>, vector<8x20xf32>
    %get3A_114 = arith.constant 0 : index
    %get3A_115 = arith.constant 0 : index
    %get3A_116 = vector.load %arg15[%get3A_114, %get3A_115] : memref<20x150xf32, #tpu.memory_space<vmem>>, vector<20x150xf32>
    %dot_general3A_117 = arith.constant dense<0.000000e+00> : vector<8x150xf32>
    %dot_general3A_118 = tpu.matmul %get3A_113, %get3A_116, %dot_general3A_117 {dimension_numbers = #tpu.dot_dimension_numbers<[1], [0], [0], [1], [0, 0, 1, 1], [], []>, transpose_lhs_hint = false} : vector<8x20xf32>, vector<20x150xf32>, vector<8x150xf32> -> vector<8x150xf32>
    %get3A_119 = arith.constant 0 : index
    %get3A_120 = arith.constant 0 : index
    %get3A_121 = vector.load %arg11[%get3A_119, %get3A_120] : memref<3x20xf32, #tpu.memory_space<vmem>>, vector<3x20xf32>
    %get3A_122 = arith.constant 0 : index
    %get3A_123 = arith.constant 0 : index
    %get3A_124 = vector.load %arg16[%get3A_122, %get3A_123] : memref<20x150xf32, #tpu.memory_space<vmem>>, vector<20x150xf32>
    %dot_general3A_125 = arith.constant dense<0.000000e+00> : vector<3x150xf32>
    %dot_general3A_126 = tpu.matmul %get3A_121, %get3A_124, %dot_general3A_125 {dimension_numbers = #tpu.dot_dimension_numbers<[1], [0], [0], [1], [0, 0, 1, 1], [], []>, transpose_lhs_hint = false} : vector<3x20xf32>, vector<20x150xf32>, vector<3x150xf32> -> vector<3x150xf32>
    %iota3A_127 = tpu.iota {dimensions = array<i32: 1>} : vector<1x10xi32>
    %eq3A_128 = vector.broadcast %reshape3A_12 : vector<2048x1xi32> to vector<2048x10xi32>
    %eq3A_129 = vector.broadcast %iota3A_127 : vector<1x10xi32> to vector<2048x10xi32>
    %eq3A_130 = arith.cmpi eq, %eq3A_128, %eq3A_129 : vector<2048x10xi32>
    %convert_element_type3A_131 = arith.extui %eq3A_130 : vector<2048x10xi1> to vector<2048x10xi32>
    %convert_element_type3A_132 = arith.sitofp %convert_element_type3A_131 : vector<2048x10xi32> to vector<2048x10xf32>
    %iota3A_133 = tpu.iota {dimensions = array<i32: 1>} : vector<1x8xi32>
    %eq3A_134 = vector.broadcast %reshape3A_17 : vector<2048x1xi32> to vector<2048x8xi32>
    %eq3A_135 = vector.broadcast %iota3A_133 : vector<1x8xi32> to vector<2048x8xi32>
    %eq3A_136 = arith.cmpi eq, %eq3A_134, %eq3A_135 : vector<2048x8xi32>
    %convert_element_type3A_137 = arith.extui %eq3A_136 : vector<2048x8xi1> to vector<2048x8xi32>
    %convert_element_type3A_138 = arith.sitofp %convert_element_type3A_137 : vector<2048x8xi32> to vector<2048x8xf32>
    %iota3A_139 = tpu.iota {dimensions = array<i32: 1>} : vector<1x3xi32>
    %eq3A_140 = vector.broadcast %reshape3A_22 : vector<2048x1xi32> to vector<2048x3xi32>
    %eq3A_141 = vector.broadcast %iota3A_139 : vector<1x3xi32> to vector<2048x3xi32>
    %eq3A_142 = arith.cmpi eq, %eq3A_140, %eq3A_141 : vector<2048x3xi32>
    %convert_element_type3A_143 = arith.extui %eq3A_142 : vector<2048x3xi1> to vector<2048x3xi32>
    %convert_element_type3A_144 = arith.sitofp %convert_element_type3A_143 : vector<2048x3xi32> to vector<2048x3xf32>
    %dot_general3A_145 = arith.constant dense<0.000000e+00> : vector<2048x150xf32>
    %dot_general3A_146 = tpu.matmul %convert_element_type3A_132, %dot_general3A_110, %dot_general3A_145 {dimension_numbers = #tpu.dot_dimension_numbers<[1], [0], [0], [1], [0, 0, 1, 1], [], []>, transpose_lhs_hint = false} : vector<2048x10xf32>, vector<10x150xf32>, vector<2048x150xf32> -> vector<2048x150xf32>
    %add3A_147 = arith.addf %add3A, %dot_general3A_146 : vector<2048x150xf32>
    %dot_general3A_148 = arith.constant dense<0.000000e+00> : vector<2048x150xf32>
    %dot_general3A_149 = tpu.matmul %convert_element_type3A_138, %dot_general3A_118, %dot_general3A_148 {dimension_numbers = #tpu.dot_dimension_numbers<[1], [0], [0], [1], [0, 0, 1, 1], [], []>, transpose_lhs_hint = false} : vector<2048x8xf32>, vector<8x150xf32>, vector<2048x150xf32> -> vector<2048x150xf32>
    %add3A_150 = arith.addf %add3A_147, %dot_general3A_149 : vector<2048x150xf32>
    %dot_general3A_151 = arith.constant dense<0.000000e+00> : vector<2048x150xf32>
    %dot_general3A_152 = tpu.matmul %convert_element_type3A_144, %dot_general3A_126, %dot_general3A_151 {dimension_numbers = #tpu.dot_dimension_numbers<[1], [0], [0], [1], [0, 0, 1, 1], [], []>, transpose_lhs_hint = false} : vector<2048x3xf32>, vector<3x150xf32>, vector<2048x150xf32> -> vector<2048x150xf32>
    %add3A_153 = arith.addf %add3A_150, %dot_general3A_152 : vector<2048x150xf32>
    %get3A_154 = arith.constant 0 : index
    %get3A_155 = arith.constant 0 : index
    %get3A_156 = vector.load %arg17[%get3A_154, %get3A_155] : memref<1x150xf32, #tpu.memory_space<vmem>>, vector<1x150xf32>
    %add3A_157 = vector.broadcast %get3A_156 : vector<1x150xf32> to vector<2048x150xf32>
    %add3A_158 = arith.addf %add3A_153, %add3A_157 : vector<2048x150xf32>
    %max3A = arith.constant 0.000000e+00 : f32
    %max3A_159 = vector.broadcast %max3A : f32 to vector<2048x150xf32>
    %max3A_160 = arith.maximumf %add3A_158, %max3A_159 : vector<2048x150xf32>
    %get3A_161 = arith.constant 0 : index
    %get3A_162 = arith.constant 0 : index
    %get3A_163 = vector.load %arg18[%get3A_161, %get3A_162] : memref<150x150xf32, #tpu.memory_space<vmem>>, vector<150x150xf32>
    %dot_general3A_164 = arith.constant dense<0.000000e+00> : vector<2048x150xf32>
    %dot_general3A_165 = tpu.matmul %max3A_160, %get3A_163, %dot_general3A_164 {dimension_numbers = #tpu.dot_dimension_numbers<[1], [0], [0], [1], [0, 0, 1, 1], [], []>, transpose_lhs_hint = false} : vector<2048x150xf32>, vector<150x150xf32>, vector<2048x150xf32> -> vector<2048x150xf32>
    %get3A_166 = arith.constant 0 : index
    %get3A_167 = arith.constant 0 : index
    %get3A_168 = vector.load %arg19[%get3A_166, %get3A_167] : memref<1x150xf32, #tpu.memory_space<vmem>>, vector<1x150xf32>
    %add3A_169 = vector.broadcast %get3A_168 : vector<1x150xf32> to vector<2048x150xf32>
    %add3A_170 = arith.addf %dot_general3A_165, %add3A_169 : vector<2048x150xf32>
    %max3A_171 = arith.constant 0.000000e+00 : f32
    %max3A_172 = vector.broadcast %max3A_171 : f32 to vector<2048x150xf32>
    %max3A_173 = arith.maximumf %add3A_170, %max3A_172 : vector<2048x150xf32>
    %get3A_174 = arith.constant 0 : index
    %get3A_175 = arith.constant 0 : index
    %get3A_176 = vector.load %arg20[%get3A_174, %get3A_175] : memref<150x1xf32, #tpu.memory_space<vmem>>, vector<150x1xf32>
    %dot_general3A_177 = arith.constant dense<0.000000e+00> : vector<2048x1xf32>
    %dot_general3A_178 = tpu.matmul %max3A_173, %get3A_176, %dot_general3A_177 {dimension_numbers = #tpu.dot_dimension_numbers<[1], [0], [0], [1], [0, 0, 1, 1], [], []>, transpose_lhs_hint = false} : vector<2048x150xf32>, vector<150x1xf32>, vector<2048x1xf32> -> vector<2048x1xf32>
    %get3A_179 = arith.constant 0 : index
    %get3A_180 = arith.constant 0 : index
    %get3A_181 = vector.load %arg21[%get3A_179, %get3A_180] : memref<1x1xf32, #tpu.memory_space<vmem>>, vector<1x1xf32>
    %add3A_182 = vector.broadcast %get3A_181 : vector<1x1xf32> to vector<2048x1xf32>
    %add3A_183 = arith.addf %dot_general3A_178, %add3A_182 : vector<2048x1xf32>
    %add3A_184 = arith.addf %add3A_183, %broadcast_in_dim3A : vector<2048x1xf32>
    %add3A_185 = arith.addf %add3A_184, %broadcast_in_dim3A_89 : vector<2048x1xf32>
    %reshape3A_186 = vector.shape_cast %add3A_185 : vector<2048x1xf32> to vector<1x1x2048xf32>
    %swap3A = arith.constant 0 : index
    %swap3A_187 = arith.constant 0 : index
    %swap3A_188 = arith.constant 0 : index
    %swap3A_189 = vector.load %arg22[%swap3A, %swap3A_187, %swap3A_188] : memref<1x1x2048xf32, #tpu.memory_space<vmem>>, vector<1x1x2048xf32>
    tpu.vector_store %arg22[%swap3A, %swap3A_187, %swap3A_188], %reshape3A_186 {strides = array<i32>} : memref<1x1x2048xf32, #tpu.memory_space<vmem>>, vector<1x1x2048xf32>,
    return
  }
  func.func @transform_0(%arg0: i32) -> (i32, i32) {
    %c0_i32 = arith.constant 0 : i32
    %c0_i32_0 = arith.constant 0 : i32
    return %arg0, %c0_i32 : i32, i32
  }
  func.func @transform_1(%arg0: i32) -> (i32, i32) {
    %c0_i32 = arith.constant 0 : i32
    %c0_i32_0 = arith.constant 0 : i32
    return %arg0, %c0_i32 : i32, i32
  }
  func.func @transform_2(%arg0: i32) -> (i32, i32, i32) {
    %c0_i32 = arith.constant 0 : i32
    %c0_i32_0 = arith.constant 0 : i32
    %c0_i32_1 = arith.constant 0 : i32
    return %arg0, %c0_i32, %c0_i32_0 : i32, i32, i32
  }
  func.func @transform_3(%arg0: i32) -> (i32, i32, i32) {
    %c0_i32 = arith.constant 0 : i32
    %c0_i32_0 = arith.constant 0 : i32
    %c0_i32_1 = arith.constant 0 : i32
    return %arg0, %c0_i32, %c0_i32_0 : i32, i32, i32
  }
  func.func @transform_4(%arg0: i32) -> (i32, i32, i32) {
    %c0_i32 = arith.constant 0 : i32
    %c0_i32_0 = arith.constant 0 : i32
    %c0_i32_1 = arith.constant 0 : i32
    return %arg0, %c0_i32, %c0_i32_0 : i32, i32, i32
  }
  func.func @transform_5(%arg0: i32) -> (i32, i32, i32) {
    %c0_i32 = arith.constant 0 : i32
    %c0_i32_0 = arith.constant 0 : i32
    %c0_i32_1 = arith.constant 0 : i32
    return %arg0, %c0_i32, %c0_i32_0 : i32, i32, i32
  }
  func.func @transform_6(%arg0: i32) -> (i32, i32, i32) {
    %c0_i32 = arith.constant 0 : i32
    %c0_i32_0 = arith.constant 0 : i32
    %c0_i32_1 = arith.constant 0 : i32
    return %arg0, %c0_i32, %c0_i32_0 : i32, i32, i32
  }
  func.func @transform_7(%arg0: i32) -> (i32, i32) {
    %c0_i32 = arith.constant 0 : i32
    %c0_i32_0 = arith.constant 0 : i32
    %c0_i32_1 = arith.constant 0 : i32
    return %c0_i32, %c0_i32_0 : i32, i32
  }
  func.func @transform_8(%arg0: i32) -> (i32, i32) {
    %c0_i32 = arith.constant 0 : i32
    %c0_i32_0 = arith.constant 0 : i32
    %c0_i32_1 = arith.constant 0 : i32
    return %c0_i32, %c0_i32_0 : i32, i32
  }
  func.func @transform_9(%arg0: i32) -> (i32, i32) {
    %c0_i32 = arith.constant 0 : i32
    %c0_i32_0 = arith.constant 0 : i32
    %c0_i32_1 = arith.constant 0 : i32
    return %c0_i32, %c0_i32_0 : i32, i32
  }
  func.func @transform_10(%arg0: i32) -> (i32, i32) {
    %c0_i32 = arith.constant 0 : i32
    %c0_i32_0 = arith.constant 0 : i32
    %c0_i32_1 = arith.constant 0 : i32
    return %c0_i32, %c0_i32_0 : i32, i32
  }
  func.func @transform_11(%arg0: i32) -> (i32, i32) {
    %c0_i32 = arith.constant 0 : i32
    %c0_i32_0 = arith.constant 0 : i32
    %c0_i32_1 = arith.constant 0 : i32
    return %c0_i32, %c0_i32_0 : i32, i32
  }
  func.func @transform_12(%arg0: i32) -> (i32, i32) {
    %c0_i32 = arith.constant 0 : i32
    %c0_i32_0 = arith.constant 0 : i32
    %c0_i32_1 = arith.constant 0 : i32
    return %c0_i32, %c0_i32_0 : i32, i32
  }
  func.func @transform_13(%arg0: i32) -> (i32, i32) {
    %c0_i32 = arith.constant 0 : i32
    %c0_i32_0 = arith.constant 0 : i32
    %c0_i32_1 = arith.constant 0 : i32
    return %c0_i32, %c0_i32_0 : i32, i32
  }
  func.func @transform_14(%arg0: i32) -> (i32, i32) {
    %c0_i32 = arith.constant 0 : i32
    %c0_i32_0 = arith.constant 0 : i32
    %c0_i32_1 = arith.constant 0 : i32
    return %c0_i32, %c0_i32_0 : i32, i32
  }
  func.func @transform_15(%arg0: i32) -> (i32, i32) {
    %c0_i32 = arith.constant 0 : i32
    %c0_i32_0 = arith.constant 0 : i32
    %c0_i32_1 = arith.constant 0 : i32
    return %c0_i32, %c0_i32_0 : i32, i32
  }
  func.func @transform_16(%arg0: i32) -> (i32, i32) {
    %c0_i32 = arith.constant 0 : i32
    %c0_i32_0 = arith.constant 0 : i32
    %c0_i32_1 = arith.constant 0 : i32
    return %c0_i32, %c0_i32_0 : i32, i32
  }
  func.func @transform_17(%arg0: i32) -> (i32, i32) {
    %c0_i32 = arith.constant 0 : i32
    %c0_i32_0 = arith.constant 0 : i32
    %c0_i32_1 = arith.constant 0 : i32
    return %c0_i32, %c0_i32_0 : i32, i32
  }
  func.func @transform_18(%arg0: i32) -> (i32, i32) {
    %c0_i32 = arith.constant 0 : i32
    %c0_i32_0 = arith.constant 0 : i32
    %c0_i32_1 = arith.constant 0 : i32
    return %c0_i32, %c0_i32_0 : i32, i32
  }
  func.func @transform_19(%arg0: i32) -> (i32, i32) {
    %c0_i32 = arith.constant 0 : i32
    %c0_i32_0 = arith.constant 0 : i32
    %c0_i32_1 = arith.constant 0 : i32
    return %c0_i32, %c0_i32_0 : i32, i32
  }
  func.func @transform_20(%arg0: i32) -> (i32, i32) {
    %c0_i32 = arith.constant 0 : i32
    %c0_i32_0 = arith.constant 0 : i32
    %c0_i32_1 = arith.constant 0 : i32
    return %c0_i32, %c0_i32_0 : i32, i32
  }
  func.func @transform_21(%arg0: i32) -> (i32, i32, i32) {
    %c0_i32 = arith.constant 0 : i32
    %c0_i32_0 = arith.constant 0 : i32
    %c0_i32_1 = arith.constant 0 : i32
    return %arg0, %c0_i32, %c0_i32_0 : i32, i32, i32
  }
}

module attributes {stable_mosaic.version = 14 : i64} {
  func.func @_softmax_body(%arg0: i32, %arg1: memref<2048x4xf32, #tpu.memory_space<vmem>>, %arg2: memref<2048x5xf32, #tpu.memory_space<vmem>>) attributes {dimension_semantics = [#tpu.dimension_semantics<arbitrary>], iteration_bounds = array<i64: 8>, scalar_prefetch = 0 : i64, scratch_operands = 0 : i64, tpu.core_type = #tpu.core_type<tc>, window_params = [{transform_indices = @transform_0, window_bounds = array<i64: 2048, 4>}, {transform_indices = @transform_1, window_bounds = array<i64: 2048, 5>}]} {
    %get3A = arith.constant 0 : index
    %get3A_0 = arith.constant 0 : index
    %get3A_1 = vector.load %arg1[%get3A, %get3A_0] : memref<2048x4xf32, #tpu.memory_space<vmem>>, vector<2048x4xf32>
    %reduce_max3A = arith.constant dense<0xFF800000> : vector<2048xf32>
    %reduce_max3A_2 = vector.multi_reduction <maximumf>, %get3A_1, %reduce_max3A [1] : vector<2048x4xf32> to vector<2048xf32>
    %broadcast_in_dim3A = vector.shape_cast %reduce_max3A_2 : vector<2048xf32> to vector<2048x1xf32>
    %max3A = arith.constant 0.000000e+00 : f32
    %max3A_3 = vector.broadcast %max3A : f32 to vector<2048x1xf32>
    %max3A_4 = arith.maximumf %broadcast_in_dim3A, %max3A_3 : vector<2048x1xf32>
    %sub3A = vector.broadcast %max3A_4 : vector<2048x1xf32> to vector<2048x4xf32>
    %sub3A_5 = arith.subf %get3A_1, %sub3A : vector<2048x4xf32>
    %exp3A = math.exp %sub3A_5 : vector<2048x4xf32>
    %neg3A = arith.constant 0.000000e+00 : f32
    %neg3A_6 = vector.broadcast %neg3A : f32 to vector<2048x1xf32>
    %neg3A_7 = arith.subf %neg3A_6, %max3A_4 : vector<2048x1xf32>
    %exp3A_8 = math.exp %neg3A_7 : vector<2048x1xf32>
    %reduce_sum3A = arith.constant dense<0.000000e+00> : vector<2048xf32>
    %reduce_sum3A_9 = vector.multi_reduction <add>, %exp3A, %reduce_sum3A [1] : vector<2048x4xf32> to vector<2048xf32>
    %broadcast_in_dim3A_10 = vector.shape_cast %reduce_sum3A_9 : vector<2048xf32> to vector<2048x1xf32>
    %add3A = arith.addf %broadcast_in_dim3A_10, %exp3A_8 : vector<2048x1xf32>
    %concatenate3A = tpu.concatenate %exp3A, %exp3A_8 in 1 : vector<2048x4xf32>, vector<2048x1xf32> -> vector<2048x5xf32>
    %div3A = vector.broadcast %add3A : vector<2048x1xf32> to vector<2048x5xf32>
    %div3A_11 = arith.divf %concatenate3A, %div3A : vector<2048x5xf32>
    %swap3A = arith.constant 0 : index
    %swap3A_12 = arith.constant 0 : index
    %swap3A_13 = vector.load %arg2[%swap3A, %swap3A_12] : memref<2048x5xf32, #tpu.memory_space<vmem>>, vector<2048x5xf32>
    tpu.vector_store %arg2[%swap3A, %swap3A_12], %div3A_11 {strides = array<i32>} : memref<2048x5xf32, #tpu.memory_space<vmem>>, vector<2048x5xf32>,
    return
  }
  func.func @transform_0(%arg0: i32) -> (i32, i32) {
    %c0_i32 = arith.constant 0 : i32
    %c0_i32_0 = arith.constant 0 : i32
    return %arg0, %c0_i32 : i32, i32
  }
  func.func @transform_1(%arg0: i32) -> (i32, i32) {
    %c0_i32 = arith.constant 0 : i32
    %c0_i32_0 = arith.constant 0 : i32
    return %arg0, %c0_i32 : i32, i32
  }
}

</mosaic_0001>

<sc_bundles>
// kernel: kernel.12.cloned.1.call-start
scs
__scs_entry_jumppad:
0x0: {  	(pc) =	sbr.rel $0x88, $3  }
0x1: {  	(tag) =	ssettag $0x0;
	lr =	simm.s32 $0x1  }
0x2: {  	[smem:$0x3F91] =	sst lr;
	_ =	strace $0xD0000000  }
0x3: {  	_ = 	snop  }
0x4: {  	_ = 	snop  }
0x5: {  	_ = 	snop  }
0x6: {  	_ = 	snop  }
0x7: {  	_ = 	snop  }
__scs_overlays_trampoline_lowered:
0x8: {  	[smem:$0x3FA0] =	sst s0  }
0x9: {  	[smem:$0x3FA1] =	sst s1  }
0xa: {  	[smem:$0x3FA2] =	sst s2  }
0xb: {  	[smem:$0x3FA3] =	sst s3  }
0xc: {  	[smem:$0x3FA4] =	sst s4  }
0xd: {  	[smem:$0x3FA5] =	sst s5  }
0xe: {  	[smem:$0x3FA6] =	sst s6  }
0xf: {  	[smem:$0x3FA7] =	sst s7  }
0x10: {  	[smem:$0x3FA8] =	sst s8  }
0x11: {  	[smem:$0x3FA9] =	sst s9;
	s0 =	simm.s32 @!p0 $0x0  }
0x12: {  	s1 =	sld [smem:$0x3F8F];
	s0 =	simm.s32 @p0 $0x1  }
0x13: {  	[smem:$0x3FAA] =	sst s0;
	s0 =	simm.s32 @!p1 $0x0  }
0x14: {  	s2 =	sld [smem:$0x3F8E];
	s0 =	simm.s32 @p1 $0x1  }
0x15: {  	[smem:$0x3FAB] =	sst s0;
	s0 =	simm.s32 @!p2 $0x0  }
0x16: {  	s3 =	sld [smem:$0x3FDB];
	s0 =	simm.s32 @p2 $0x1  }
0x17: {  	s4 =	simm.s32 $0x1BF5;
	[smem:$0x3FAD] =	sst s0  }
0x18: {  	s0 =	sld [smem:$0x3F90];
	_ =	swait.ge [sflag:s4], $0x0  }
0x19: {  	s7 =	sld [smem:$0x3F91]  }
0x1a: {  	s8 =	sadd.s32 $0xFFFFE003, lr  }
0x1b: {  	s9 =	sadd.s32 $0xFFFFFEF7, lr;
	s5 =	simm.s32 $0xFFFFFFFF;
	p2 =	slt.u32 s8, $0xFFFFF086  }
0x1c: {  	p1 =	slt.u32 s9, $0xF7A;
	s5 =	simm.s32 @!p2 $0x0  }
0x1d: {  	s5 =	simm.s32 @p1 $0x1;
	p0 =	seq.s32 s7, s2  }
0x1e: {  	s7 =	smul.u32 @!p0 $0xF7A, s2;
	p2 =	seq.s32 @!p0 s5, $0x0  }
0x1f: {  	s9 =	smul.u32 $0xF7A, s1;
	s8 =	simm.s32 @!p0 $0x1BF5;
	p2 =	por !p2, p0  }
0x20: {  	[sflag:s8] =	ssyncset.s32 @!p0 $0xFFFFF086;
	s6 =	sadd.s32 @!p0 s3, s7;
	s7 =	simm.s32 @!p0 $0x108  }
0x21: {  	s3 =	sadd.s32 s3, s9;
	s6 =	sadd.s32 @!p0 $0x88, s6;
	s7 =	simm.s32 @p2 $0x1082  }
0x22: {  	[simem:s7], [sflag:s8] =	dma.local @!p0 [hbm:s6], $0xF7A  }
0x23: {  	s9 =	sor.u32 $0xD0000000, s2;
	s6 =	simm.s32 $0x108;
	_ =	swait.ge @!p0 [sflag:s8], $0x0  }
0x24: {  	s3 =	sadd.s32 $0x88, s3;
	s6 =	simm.s32 @!p1 $0x1082;
	[sflag:s4] =	ssyncset.s32 $0xFFFFF086  }
0x25: {  	[simem:s6], [sflag:s4] =	dma.local [hbm:s3], $0xF7A  }
0x26: {  	[smem:$0x3F91] =	sst s1;
	(tag) =	ssettag s2;
	_ =	strace s9  }
0x27: {  	s1 =	sld [smem:$0x3FA1]  }
0x28: {  	s2 =	sld [smem:$0x3FA2]  }
0x29: {  	s4 =	sld [smem:$0x3FA4]  }
0x2a: {  	p0 =	seq.s32 s5, $0x0;
	s5 =	sld [smem:$0x3FA5]  }
0x2b: {  	s6 =	sld [smem:$0x3FA6]  }
0x2c: {  	s7 =	sld [smem:$0x3FA7]  }
0x2d: {  	s3 =	simm.s32 $0x108;
	s8 =	sld [smem:$0x3FA8]  }
0x2e: {  	s3 =	simm.s32 @!p0 $0x1082;
	s9 =	sld [smem:$0x3FA9]  }
0x2f: {  	lr =	sadd.s32 s0, s3;
	s0 =	sld [smem:$0x3FA0]  }
0x30: {  	s3 =	sld [smem:$0x3FA3]  }
0x31: {  	[smem:$0x3FAC] =	sst s10  }
0x32: {  	s10 =	sld [smem:$0x3FAA];
	_ =	sdelay $0x3  }
0x33: {  	p0 =	seq.s32 s10, $0x1;
	s10 =	sld [smem:$0x3FAC];
	_ =	sdelay $0x3  }
0x34: {  	[smem:$0x3FAC] =	sst s10  }
0x35: {  	s10 =	sld [smem:$0x3FAB];
	_ =	sdelay $0x3  }
0x36: {  	p1 =	seq.s32 s10, $0x1;
	s10 =	sld [smem:$0x3FAC];
	_ =	sdelay $0x3  }
0x37: {  	[smem:$0x3FAC] =	sst s10  }
0x38: {  	s10 =	sld [smem:$0x3FAD]  }
0x39: {  	_ = 	snop;
	(pc) =	sbr.ind lr, $3  }
0x3a: {  	_ = 	snop  }
0x3b: {  	_ = 	snop  }
0x3c: {  	p2 =	seq.s32 s10, $0x1;
	s10 =	sld [smem:$0x3FAC]  }
0x3d: {  	_ =	shalt  }
0x3e: {  	_ =	shalt  }
0x3f: {  	_ =	shalt  }
0x40: {  	_ =	shalt  }
0x41: {  	_ =	shalt  }
0x42: {  	_ =	shalt  }
0x43: {  	_ =	shalt  }
0x44: {  	_ =	shalt  }
0x45: {  	_ =	shalt  }
0x46: {  	_ =	shalt  }
0x47: {  	_ =	shalt  }
0x48: {  	_ =	shalt  }
0x49: {  	_ =	shalt  }
0x4a: {  	_ =	shalt  }
0x4b: {  	_ =	shalt  }
0x4c: {  	_ =	shalt  }
0x4d: {  	_ =	shalt  }
0x4e: {  	_ =	shalt  }
0x4f: {  	_ =	shalt  }
0x50: {  	_ =	shalt  }
0x51: {  	_ =	shalt  }
0x52: {  	_ =	shalt  }
0x53: {  	_ =	shalt  }
0x54: {  	_ =	shalt  }
0x55: {  	_ =	shalt  }
0x56: {  	_ =	shalt  }
0x57: {  	_ =	shalt  }
0x58: {  	_ =	shalt  }
0x59: {  	_ =	shalt  }
0x5a: {  	_ =	shalt  }
0x5b: {  	_ =	shalt  }
0x5c: {  	_ =	shalt  }
0x5d: {  	_ =	shalt  }
0x5e: {  	_ =	shalt  }
0x5f: {  	_ =	shalt  }
0x60: {  	_ =	shalt  }
0x61: {  	_ =	shalt  }
0x62: {  	_ =	shalt  }
0x63: {  	_ =	shalt  }
0x64: {  	_ =	shalt  }
0x65: {  	_ =	shalt  }
0x66: {  	_ =	shalt  }
0x67: {  	_ =	shalt  }
0x68: {  	_ =	shalt  }
0x69: {  	_ =	shalt  }
0x6a: {  	_ =	shalt  }
0x6b: {  	_ =	shalt  }
0x6c: {  	_ =	shalt  }
0x6d: {  	_ =	shalt  }
0x6e: {  	_ =	shalt  }
0x6f: {  	_ =	shalt  }
0x70: {  	_ =	shalt  }
0x71: {  	_ =	shalt  }
0x72: {  	_ =	shalt  }
0x73: {  	_ =	shalt  }
0x74: {  	_ =	shalt  }
0x75: {  	_ =	shalt  }
0x76: {  	_ =	shalt  }
0x77: {  	_ =	shalt  }
0x78: {  	_ =	shalt  }
0x79: {  	_ =	shalt  }
0x7a: {  	_ =	shalt  }
0x7b: {  	_ =	shalt  }
0x7c: {  	_ =	shalt  }
0x7d: {  	_ =	shalt  }
0x7e: {  	_ =	shalt  }
0x7f: {  	_ =	shalt  }
0x80: {  	_ =	shalt  }
0x81: {  	_ =	shalt  }
0x82: {  	_ =	shalt  }
0x83: {  	_ =	shalt  }
0x84: {  	_ =	shalt  }
0x85: {  	_ =	shalt  }
0x86: {  	_ =	shalt  }
0x87: {  	_ =	shalt  }
.Lfunc_end0:
.L_simem_size_0:
called_computation_lowered:
.L_overlay_start_0:
0x88: {  	s2 =	sld [smem:$0x3FD9]  }
0x89: {  	s3 =	sld [smem:$0x3FFE];
	_ =	sdelay $0x1  }
0x8a: {  	s1 =	srdreg.scid  }
0x8b: {  	s0 =	sand.u32 $0x1, s1  }
0x8c: {  	s17 =	sshll.u32 s0, $0xA;
	s2 =	sadd.s32 s3, s2  }
0x8d: {  	s2 =	sadd.s32 s2, s17  }
0x8e: {  	[smem:$0x3FB8] =	sst s2  }
0x8f: {  	_ = 	snop  }
0x90: {  	s18 =	sld [smem:$0x3FD0];
	(tm) =	ssettm $0x1  }
0x91: {  	s19 =	sld [smem:$0x3FFB];
	_ =	sdelay $0x3  }
0x92: {  	_ =	strace s19  }
0x93: {  	s2 =	sld [smem:$0x3FFC];
	_ =	sdelay $0x3  }
0x94: {  	_ =	strace s2  }
0x95: {  	s2 =	sld [smem:$0x3FFD];
	_ =	sdelay $0x3  }
0x96: {  	_ =	strace s2  }
0x97: {  	_ =	strace $0x8FFFFFFF  }
0x98: {  	s20 =	sld [smem:$0x3FDB];
	_ =	sdelay $0x1  }
0x99: {  	s4 =	simm.s32 $_scs_section_size  }
0x9a: {  	s5 =	simm.s32 $_size__tile_overlayer_lowered;
	s6 =	simm.s32 $_tile_overlayer_lowered  }
0x9b: {  	s7 =	simm.s32 $0x1BFF;
	s21 =	sshll.u32 s6, $0x1;
	s4 =	sadd.s32 s4, s20  }
0x9c: {  	s22 =	simm.s32 $0x0;
	s5 =	sshll.u32 s5, $0x1;
	s6 =	sadd.s32 s21, s4  }
0x9d: {  	[timem:s22], [sflag:s7] =	dma.local [hbm:s6], s5  }
0x9e: {  	_ =	swait.ge [sflag:s7], s5  }
0x9f: {  	s5 =	ssub.s32 $0x0, s5;
	[sflag:s7] =	ssyncset.done $0x0  }
0xa0: {  	[sflag:s7] =	ssyncadd.s32 s5;
	_ =	sdelay $0x1  }
0xa1: {  	s23 =	simm.s32 $0x1B8B  }
0xa2: {  	_ =	swait.ge [sflag:s23], $0x1  }
0xa3: {  	[sflag:s23] =	ssyncset.done $0x0  }
0xa4: {  	[sflag:s23] =	ssyncadd.s32 $0xFFFFFFFF  }
0xa5: {  	s5 =	sld [smem:$0x0]  }
0xa6: {  	s6 =	sand.u32 $0xFFFFFFFE, s1  }
0xa7: {  	p0 =	sne.s32 s1, s6  }
0xa8: {  	s6 =	sshll.u32 @p0 s6, $0xE  }
0xa9: {  	s6 =	sadd.s32 @p0 $0x11B8D, s6;
	s7 =	sshll.u32 @p0 s5, $0x11  }
0xaa: {  	s6 =	sor.u32 @p0 s7, s6  }
0xab: {  	[sflag:s6] =	ssyncadd.remote.s32 @p0 $0x1;
	_ =	sdelay $0x1  }
0xac: {  	s6 =	simm.s32 @p0 $0x1B8D  }
0xad: {  	_ =	swait.eq @p0 [sflag:s6], $0x1  }
0xae: {  	[sflag:s6] =	ssyncadd.s32 @p0 $0xFFFFFFFF  }
0xaf: {  	s7 =	sshll.u32 @!p0 s1, $0xE  }
0xb0: {  	s7 =	sor.u32 @!p0 $0x4000, s7;
	s6 =	simm.s32 @!p0 $0x1B8D  }
0xb1: {  	s5 =	sshll.u32 @!p0 s5, $0x11;
	s7 =	sadd.s32 @!p0 $0x11B8D, s7;
	_ =	swait.eq @!p0 [sflag:s6], $0x1  }
0xb2: {  	s5 =	sor.u32 @!p0 s5, s7;
	[sflag:s6] =	ssyncadd.s32 @!p0 $0xFFFFFFFF  }
0xb3: {  	s25 =	simm.s32 $0x1B8E;
	s24 =	sld [smem:$0x3FFE];
	[sflag:s5] =	ssyncadd.remote.s32 @!p0 $0x1  }
0xb4: {  	s26 =	simm.s32 $execute0_lowered;
	[smem:$0x3FD2] =	sst s25  }
0xb5: {  	s6 =	sshll.u32 s26, $0x1;
	_ =	strace $0x8000004F;
	[dreg:$0x1] =	wrdreg $0xFFFFFFFF  }
0xb6: {  	s28 =	simm.s32 $_size_execute0_lowered;
	s4 =	sadd.s32 s4, s6;
	[dreg:$0x0] =	wrdreg $0x0  }
0xb7: {  	s6 =	sshll.u32 s28, $0x1;
	[dreg:$0x2] =	wrdreg s4  }
0xb8: {  	[dreg:$0x3] =	wrdreg s6  }
0xb9: {  	[dreg:$0x4] =	wrdreg $0xC0  }
0xba: {  	_ =	task [dreg:s22], $0x5FFFF  }
0xbb: {  	[dreg:$0x1] =	wrdreg $0xFFFFFFFF  }
0xbc: {  	[dreg:$0x0] =	wrdreg $0x60  }
0xbd: {  	[dreg:$0x2] =	wrdreg s24  }
0xbe: {  	[dreg:$0x3] =	wrdreg s18  }
0xbf: {  	[dreg:$0x4] =	wrdreg $0x9  }
0xc0: {  	_ =	task.clear_ibuf [dreg:s22], $0x5FFFF;
	_ =	strace $0x9000004F  }
0xc1: {  	s29 =	simm.s32 $0x9;
	_ =	strace $0x80000051  }
0xc2: {  	_ =	swait.ge [sflag:s29], $0x1  }
0xc3: {  	[sflag:s29] =	ssyncadd.s32 $0xFFFFFFFF  }
0xc4: {  	_ =	strace $0x90000051  }
0xc5: {  	_ =	sfence  }
0xc6: {  	s30 =	sld [smem:$0x0];
	_ =	sdelay $0x2  }
0xc7: {  	s31 =	sshll.u32 s1, $0xD;
	s1 =	sshrl.u32 s1, $0x2  }
0xc8: {  	s4 =	sand.u32 $0x4000, s31;
	s1 =	sadd.s32 s1, s30  }
0xc9: {  	s0 =	sor.u32 s4, s0;
	s1 =	sshll.u32 s1, $0x11  }
0xca: {  	s0 =	sor.u32 s1, s0  }
0xcb: {  	s0 =	sadd.s32 $0x8F2B, s0  }
0xcc: {  	[sflag:s0] =	ssyncadd.remote.s32 $0x1  }
0xcd: {  	_ =	sfence.sel $0xFFFF  }
0xce: {  	[dreg:$0x0] =	wrdreg $0xFFFFFFFF;
	(pc) =	sbr.abs _section_cstart, $3  }
0xcf: {  	[dreg:$0x1] =	wrdreg $0xFFFFFFFF  }
0xd0: {  	_ =	task.clear_ibuf [dreg:s22], $0x2FFFF;
	_ =	strace $0x9FFFFFFF  }
0xd1: {  	(tm) =	ssettm $0x7FFFFFFF  }
tec
execute0_lowered:
.L_overlay_start_1:
0x0: {  	(tag) =	ssettag $0x1  }
0x1: {  	s4 =	rddreg [dreg:$0x0]  }
0x2: {  	s7 =	rddreg [dreg:$0x1]  }
0x3: {  	s0 =	rddreg [dreg:$0x2];
	s3 =	srdreg.scid  }
0x4: {  	s2 =	simm.s32 $0x0;
	s1 =	stileid.u32;
	s12 =	simm.s32 $0x4100  }
0x5: {  	s13 =	simm.s32 $0x1;
	s14 =	simm.s32 $0x2;
	s15 =	simm.s32 $0x0  }
0x6: {  	s5 =	sand.u32 $0x1, s3;
	[smem:$0x7FF] =	sst s2;
	s6 =	sshll.u32 s1, $0xA  }
0x7: {  	s3 =	sadd.s32 $0x6000, s4;
	s30 =	sshll.u32 s1, $0xE;
	s8 =	sshll.u32 s5, $0x9  }
0x8: {  	_ =	strace $0x80000050;
	s9 =	ssub.s32 $0x2, s5;
	s6 =	sor.u32 s8, s6  }
0x9: {  	s5 =	sshll.u32 s5, $0xD;
	s10 =	sshrl.u32 s9, $0x1;
	s8 =	sshrl.u32 s6, $0x3  }
0xa: {  	s6 =	sadd.s32 s30, s4;
	s31 =	ssub.s32 s9, s10;
	s9 =	simm.s32 $0x3  }
0xb: {  	s10 =	simm.s32 $0x80;
	s11 =	sadd.s32 s8, s4;
	s6 =	sadd.s32 s5, s6  }
0xc: {  	s4 =	smax.u32 s31, $0x1;
	s7 =	sadd.s32 s8, s7;
	s5 =	sadd.s32 $0x1C9800, s6  }
0xd: {  	s6 =	sadd.s32 $0x209800, s6;
	s8 =	sadd.s32 $0x49000, s11;
	s11 =	simm.s32 $0x100  }
.LBB2_1:
0xe: {  	s16 =	sadd.s32 $0x0, s8  }
0xf: {  	[tilespmem:s2], [sflag:$0x3] =	stream.linear.gather [hbm4b:s16+s2], $0x80, $0x38;
	[tilespmem:$0x8100] =	vst v63  }
0x10: {  	_ =	swait.ge [sflag:s9], $0x80  }
0x11: {  	[sflag:s9] =	ssyncset.done $0x0  }
0x12: {  	s31 =	sadd.s32 $0x0, s7;
	[sflag:s9] =	ssyncadd.s32 $0xFFFFFF80  }
0x13: {  	[tilespmem:s10], [sflag:$0x3] =	stream.linear.gather [hbm4b:s31+s2], $0x80, $0x38;
	[tilespmem:$0x8100] =	vst v63  }
0x14: {  	_ =	swait.ge [sflag:s9], $0x80  }
0x15: {  	[sflag:s9] =	ssyncset.done $0x0  }
0x16: {  	[sflag:s9] =	ssyncadd.s32 $0xFFFFFF80  }
0x17: {  	[tilespmem:s11], [sflag:$0x1] =	stream.indirect.gather [hbm4b:s3+s10], $0x80, s2, s10, $0xb8;
	[tilespmem:$0x8100] =	vst v63  }
0x18: {  	_ = 	snop  }
0x19: {  	[tilespmem:s12], [sflag:$0x2] =	stream.indirect.gather [hbm4b:s3+s10], $0x80, s10, s10, $0xb8;
	[tilespmem:$0x8100] =	vst v63  }
0x1a: {  	_ =	swait.ge [sflag:s13], $0x4000  }
0x1b: {  	[sflag:s13] =	ssyncset.done $0x0  }
0x1c: {  	[sflag:s13] =	ssyncadd.s32 $0xFFFFC000  }
0x1d: {  	_ =	swait.ge [sflag:s14], $0x4000  }
0x1e: {  	[sflag:s14] =	ssyncset.done $0x0  }
0x1f: {  	[sflag:s14] =	ssyncadd.s32 $0xFFFFC000  }
0x20: {  	[hbm4b:s5+s2] =	stream.linear.scatter [tilespmem:s11], [sflag:$0x3], $0x4000, $0x38;
	[tilespmem:$0x8100] =	vst v63  }
0x21: {  	_ =	swait.ge [sflag:s9], $0x4000  }
0x22: {  	[sflag:s9] =	ssyncset.done $0x0  }
0x23: {  	[sflag:s9] =	ssyncadd.s32 $0xFFFFC000  }
0x24: {  	[hbm4b:s6+s2] =	stream.linear.scatter [tilespmem:s12], [sflag:$0x3], $0x4000, $0x38;
	[tilespmem:$0x8100] =	vst v63  }
0x25: {  	s18 =	simm.s32 $0x10;
	s19 =	simm.s32 $0x20;
	_ =	swait.ge [sflag:s9], $0x4000  }
0x26: {  	s17 =	sadd.s32 $0x800, s5;
	s16 =	sadd.s32 $0x800, s6;
	[sflag:s9] =	ssyncset.done $0x0  }
.LBB2_2:
0x27: {  	s20 =	sadd.s32 s18, s8  }
0x28: {  	[sflag:s9] =	ssyncadd.s32 $0xFFFFC000;
	s21 =	smov.u32 s19;
	s22 =	sadd.s32 $0x10, s19  }
0x29: {  	[tilespmem:s2], [sflag:$0x3] =	stream.linear.gather [hbm4b:s20+s2], $0x80, $0x38;
	[tilespmem:$0x8100] =	vst v63  }
0x2a: {  	p0 =	sne.s32 s19, $0x30;
	_ =	swait.ge [sflag:s9], $0x80  }
0x2b: {  	[sflag:s9] =	ssyncset.done $0x0  }
0x2c: {  	s19 =	sadd.s32 s18, s7;
	s18 =	smov.u32 s21;
	[sflag:s9] =	ssyncadd.s32 $0xFFFFFF80  }
0x2d: {  	[tilespmem:s10], [sflag:$0x3] =	stream.linear.gather [hbm4b:s19+s2], $0x80, $0x38;
	[tilespmem:$0x8100] =	vst v63  }
0x2e: {  	_ =	swait.ge [sflag:s9], $0x80  }
0x2f: {  	[sflag:s9] =	ssyncset.done $0x0  }
0x30: {  	[sflag:s9] =	ssyncadd.s32 $0xFFFFFF80  }
0x31: {  	[tilespmem:s11], [sflag:$0x1] =	stream.indirect.gather [hbm4b:s3+s10], $0x80, s2, s10, $0xb8;
	[tilespmem:$0x8100] =	vst v63  }
0x32: {  	_ = 	snop  }
0x33: {  	[tilespmem:s12], [sflag:$0x2] =	stream.indirect.gather [hbm4b:s3+s10], $0x80, s10, s10, $0xb8;
	[tilespmem:$0x8100] =	vst v63  }
0x34: {  	_ =	swait.ge [sflag:s13], $0x4000  }
0x35: {  	[sflag:s13] =	ssyncset.done $0x0  }
0x36: {  	[sflag:s13] =	ssyncadd.s32 $0xFFFFC000  }
0x37: {  	_ =	swait.ge [sflag:s14], $0x4000  }
0x38: {  	[sflag:s14] =	ssyncset.done $0x0  }
0x39: {  	[sflag:s14] =	ssyncadd.s32 $0xFFFFC000  }
0x3a: {  	[hbm4b:s17+s2] =	stream.linear.scatter [tilespmem:s11], [sflag:$0x3], $0x4000, $0x38;
	[tilespmem:$0x8100] =	vst v63  }
0x3b: {  	_ =	swait.ge [sflag:s9], $0x4000  }
.Ltmp0:
0x3c: {  	[sflag:s9] =	ssyncset.done $0x0;
	(pc) =	sbr.rel @p0 .LBB2_2-.Ltmp0, $4  }
0x3d: {  	[sflag:s9] =	ssyncadd.s32 $0xFFFFC000  }
0x3e: {  	[hbm4b:s16+s2] =	stream.linear.scatter [tilespmem:s12], [sflag:$0x3], $0x4000, $0x38;
	[tilespmem:$0x8100] =	vst v63  }
0x3f: {  	s19 =	smov.u32 s22;
	_ =	swait.ge [sflag:s9], $0x4000  }
0x40: {  	s17 =	sadd.s32 $0x800, s17;
	s16 =	sadd.s32 $0x800, s16;
	[sflag:s9] =	ssyncset.done $0x0  }
0x41: {  	s19 =	sadd.s32 s18, s8;
	[sflag:s9] =	ssyncadd.s32 $0xFFFFC000  }
0x42: {  	[tilespmem:s2], [sflag:$0x3] =	stream.linear.gather [hbm4b:s19+s2], $0x80, $0x38;
	[tilespmem:$0x8100] =	vst v63  }
0x43: {  	_ =	swait.ge [sflag:s9], $0x80  }
0x44: {  	[sflag:s9] =	ssyncset.done $0x0  }
0x45: {  	s31 =	sadd.s32 s18, s7;
	[sflag:s9] =	ssyncadd.s32 $0xFFFFFF80  }
0x46: {  	[tilespmem:s10], [sflag:$0x3] =	stream.linear.gather [hbm4b:s31+s2], $0x80, $0x38;
	[tilespmem:$0x8100] =	vst v63  }
0x47: {  	_ =	swait.ge [sflag:s9], $0x80  }
0x48: {  	[sflag:s9] =	ssyncset.done $0x0  }
0x49: {  	[sflag:s9] =	ssyncadd.s32 $0xFFFFFF80  }
0x4a: {  	[tilespmem:s11], [sflag:$0x1] =	stream.indirect.gather [hbm4b:s3+s10], $0x80, s2, s10, $0xb8;
	[tilespmem:$0x8100] =	vst v63  }
0x4b: {  	_ = 	snop  }
0x4c: {  	[tilespmem:s12], [sflag:$0x2] =	stream.indirect.gather [hbm4b:s3+s10], $0x80, s10, s10, $0xb8;
	[tilespmem:$0x8100] =	vst v63  }
0x4d: {  	_ =	swait.ge [sflag:s13], $0x4000  }
0x4e: {  	[sflag:s13] =	ssyncset.done $0x0  }
0x4f: {  	[sflag:s13] =	ssyncadd.s32 $0xFFFFC000  }
0x50: {  	_ =	swait.ge [sflag:s14], $0x4000  }
0x51: {  	[sflag:s14] =	ssyncset.done $0x0  }
0x52: {  	[sflag:s14] =	ssyncadd.s32 $0xFFFFC000  }
0x53: {  	[hbm4b:s17+s2] =	stream.linear.scatter [tilespmem:s11], [sflag:$0x3], $0x4000, $0x38;
	[tilespmem:$0x8100] =	vst v63  }
0x54: {  	s15 =	sadd.s32 $0x1, s15;
	_ =	swait.ge [sflag:s9], $0x4000  }
0x55: {  	p0 =	sne.s32 s15, s4;
	[sflag:s9] =	ssyncset.done $0x0  }
.Ltmp1:
0x56: {  	[sflag:s9] =	ssyncadd.s32 $0xFFFFC000;
	(pc) =	sbr.rel @p0 .LBB2_1-.Ltmp1, $4  }
0x57: {  	[hbm4b:s16+s2] =	stream.linear.scatter [tilespmem:s12], [sflag:$0x3], $0x4000, $0x38;
	[tilespmem:$0x8100] =	vst v63  }
0x58: {  	_ =	swait.ge [sflag:s9], $0x4000  }
0x59: {  	[sflag:s9] =	ssyncset.done $0x0  }
0x5a: {  	[sflag:s9] =	ssyncadd.s32 $0xFFFFC000  }
0x5b: {  	_ =	sfence.sel $0x180000  }
0x5c: {  	[bflag:$0x0] =	sbarrier.arrive $0xFFFF  }
0x5d: {  	p0 =	sne.s32 s1, $0x0;
	_ =	strace $0x90000050  }
0x5e: {  	s0 =	sadd.s32 @!p0 $0x100000, s0;
	[bflag:$0x2] =	sbarrier.arrive $0xFFFF  }
0x5f: {  	[sflag:s0] =	ssyncadd.tile.s32 @!p0 $0x1;
	_ =	shalt  }
.Lfunc_end2:
_tile_overlayer_lowered:
.L_overlay_start_2:
0x60: {  	(tag) =	ssettag $0x2  }
0x61: {  	s0 =	rddreg [dreg:$0x0];
	s2 =	stileid.u32  }
0x62: {  	s1 =	rddreg [dreg:$0x1];
	p0 =	sne.s32 s2, $0x0  }
0x63: {  	s3 =	rddreg [dreg:$0x2];
	[bflag:$0x3] =	sbarrier.arrive $0xFFFF;
	s2 =	simm.s32 @!p0 $0x1C03  }
0x64: {  	[timem:s3], [sflag:s2] =	dma.local @!p0 [hbm:s0], s1  }
0x65: {  	s0 =	simm.s32 @!p0 $0x3  }
0x66: {  	_ =	swait.ge @!p0 [sflag:s0], s1  }
0x67: {  	s1 =	ssub.s32 @!p0 $0x0, s1;
	[sflag:s0] =	ssyncset.done @!p0 $0x0  }
0x68: {  	[sflag:s0] =	ssyncadd.s32 @!p0 s1  }
0x69: {  	[bflag:$0x3] =	sbarrier.arrive $0xFFFF  }
0x6a: {  	_ =	shalt  }

// kernel: kernel.15.cloned.1.call-start
scs
__scs_entry_jumppad:
0x0: {  	(pc) =	sbr.rel $0x88, $3  }
0x1: {  	(tag) =	ssettag $0x0;
	lr =	simm.s32 $0x1  }
0x2: {  	[smem:$0x3F91] =	sst lr;
	_ =	strace $0xD0000000  }
0x3: {  	_ = 	snop  }
0x4: {  	_ = 	snop  }
0x5: {  	_ = 	snop  }
0x6: {  	_ = 	snop  }
0x7: {  	_ = 	snop  }
__scs_overlays_trampoline_lowered:
0x8: {  	[smem:$0x3FA0] =	sst s0  }
0x9: {  	[smem:$0x3FA1] =	sst s1  }
0xa: {  	[smem:$0x3FA2] =	sst s2  }
0xb: {  	[smem:$0x3FA3] =	sst s3  }
0xc: {  	[smem:$0x3FA4] =	sst s4  }
0xd: {  	[smem:$0x3FA5] =	sst s5  }
0xe: {  	[smem:$0x3FA6] =	sst s6  }
0xf: {  	[smem:$0x3FA7] =	sst s7  }
0x10: {  	[smem:$0x3FA8] =	sst s8  }
0x11: {  	[smem:$0x3FA9] =	sst s9;
	s0 =	simm.s32 @!p0 $0x0  }
0x12: {  	s1 =	sld [smem:$0x3F8F];
	s0 =	simm.s32 @p0 $0x1  }
0x13: {  	[smem:$0x3FAA] =	sst s0;
	s0 =	simm.s32 @!p1 $0x0  }
0x14: {  	s2 =	sld [smem:$0x3F8E];
	s0 =	simm.s32 @p1 $0x1  }
0x15: {  	[smem:$0x3FAB] =	sst s0;
	s0 =	simm.s32 @!p2 $0x0  }
0x16: {  	s3 =	sld [smem:$0x3FDB];
	s0 =	simm.s32 @p2 $0x1  }
0x17: {  	s4 =	simm.s32 $0x1BF5;
	[smem:$0x3FAD] =	sst s0  }
0x18: {  	s0 =	sld [smem:$0x3F90];
	_ =	swait.ge [sflag:s4], $0x0  }
0x19: {  	s7 =	sld [smem:$0x3F91]  }
0x1a: {  	s8 =	sadd.s32 $0xFFFFE003, lr  }
0x1b: {  	s9 =	sadd.s32 $0xFFFFFEF7, lr;
	s5 =	simm.s32 $0xFFFFFFFF;
	p2 =	slt.u32 s8, $0xFFFFF086  }
0x1c: {  	p1 =	slt.u32 s9, $0xF7A;
	s5 =	simm.s32 @!p2 $0x0  }
0x1d: {  	s5 =	simm.s32 @p1 $0x1;
	p0 =	seq.s32 s7, s2  }
0x1e: {  	s7 =	smul.u32 @!p0 $0xF7A, s2;
	p2 =	seq.s32 @!p0 s5, $0x0  }
0x1f: {  	s9 =	smul.u32 $0xF7A, s1;
	s8 =	simm.s32 @!p0 $0x1BF5;
	p2 =	por !p2, p0  }
0x20: {  	[sflag:s8] =	ssyncset.s32 @!p0 $0xFFFFF086;
	s6 =	sadd.s32 @!p0 s3, s7;
	s7 =	simm.s32 @!p0 $0x108  }
0x21: {  	s3 =	sadd.s32 s3, s9;
	s6 =	sadd.s32 @!p0 $0x88, s6;
	s7 =	simm.s32 @p2 $0x1082  }
0x22: {  	[simem:s7], [sflag:s8] =	dma.local @!p0 [hbm:s6], $0xF7A  }
0x23: {  	s9 =	sor.u32 $0xD0000000, s2;
	s6 =	simm.s32 $0x108;
	_ =	swait.ge @!p0 [sflag:s8], $0x0  }
0x24: {  	s3 =	sadd.s32 $0x88, s3;
	s6 =	simm.s32 @!p1 $0x1082;
	[sflag:s4] =	ssyncset.s32 $0xFFFFF086  }
0x25: {  	[simem:s6], [sflag:s4] =	dma.local [hbm:s3], $0xF7A  }
0x26: {  	[smem:$0x3F91] =	sst s1;
	(tag) =	ssettag s2;
	_ =	strace s9  }
0x27: {  	s1 =	sld [smem:$0x3FA1]  }
0x28: {  	s2 =	sld [smem:$0x3FA2]  }
0x29: {  	s4 =	sld [smem:$0x3FA4]  }
0x2a: {  	p0 =	seq.s32 s5, $0x0;
	s5 =	sld [smem:$0x3FA5]  }
0x2b: {  	s6 =	sld [smem:$0x3FA6]  }
0x2c: {  	s7 =	sld [smem:$0x3FA7]  }
0x2d: {  	s3 =	simm.s32 $0x108;
	s8 =	sld [smem:$0x3FA8]  }
0x2e: {  	s3 =	simm.s32 @!p0 $0x1082;
	s9 =	sld [smem:$0x3FA9]  }
0x2f: {  	lr =	sadd.s32 s0, s3;
	s0 =	sld [smem:$0x3FA0]  }
0x30: {  	s3 =	sld [smem:$0x3FA3]  }
0x31: {  	[smem:$0x3FAC] =	sst s10  }
0x32: {  	s10 =	sld [smem:$0x3FAA];
	_ =	sdelay $0x3  }
0x33: {  	p0 =	seq.s32 s10, $0x1;
	s10 =	sld [smem:$0x3FAC];
	_ =	sdelay $0x3  }
0x34: {  	[smem:$0x3FAC] =	sst s10  }
0x35: {  	s10 =	sld [smem:$0x3FAB];
	_ =	sdelay $0x3  }
0x36: {  	p1 =	seq.s32 s10, $0x1;
	s10 =	sld [smem:$0x3FAC];
	_ =	sdelay $0x3  }
0x37: {  	[smem:$0x3FAC] =	sst s10  }
0x38: {  	s10 =	sld [smem:$0x3FAD]  }
0x39: {  	_ = 	snop;
	(pc) =	sbr.ind lr, $3  }
0x3a: {  	_ = 	snop  }
0x3b: {  	_ = 	snop  }
0x3c: {  	p2 =	seq.s32 s10, $0x1;
	s10 =	sld [smem:$0x3FAC]  }
0x3d: {  	_ =	shalt  }
0x3e: {  	_ =	shalt  }
0x3f: {  	_ =	shalt  }
0x40: {  	_ =	shalt  }
0x41: {  	_ =	shalt  }
0x42: {  	_ =	shalt  }
0x43: {  	_ =	shalt  }
0x44: {  	_ =	shalt  }
0x45: {  	_ =	shalt  }
0x46: {  	_ =	shalt  }
0x47: {  	_ =	shalt  }
0x48: {  	_ =	shalt  }
0x49: {  	_ =	shalt  }
0x4a: {  	_ =	shalt  }
0x4b: {  	_ =	shalt  }
0x4c: {  	_ =	shalt  }
0x4d: {  	_ =	shalt  }
0x4e: {  	_ =	shalt  }
0x4f: {  	_ =	shalt  }
0x50: {  	_ =	shalt  }
0x51: {  	_ =	shalt  }
0x52: {  	_ =	shalt  }
0x53: {  	_ =	shalt  }
0x54: {  	_ =	shalt  }
0x55: {  	_ =	shalt  }
0x56: {  	_ =	shalt  }
0x57: {  	_ =	shalt  }
0x58: {  	_ =	shalt  }
0x59: {  	_ =	shalt  }
0x5a: {  	_ =	shalt  }
0x5b: {  	_ =	shalt  }
0x5c: {  	_ =	shalt  }
0x5d: {  	_ =	shalt  }
0x5e: {  	_ =	shalt  }
0x5f: {  	_ =	shalt  }
0x60: {  	_ =	shalt  }
0x61: {  	_ =	shalt  }
0x62: {  	_ =	shalt  }
0x63: {  	_ =	shalt  }
0x64: {  	_ =	shalt  }
0x65: {  	_ =	shalt  }
0x66: {  	_ =	shalt  }
0x67: {  	_ =	shalt  }
0x68: {  	_ =	shalt  }
0x69: {  	_ =	shalt  }
0x6a: {  	_ =	shalt  }
0x6b: {  	_ =	shalt  }
0x6c: {  	_ =	shalt  }
0x6d: {  	_ =	shalt  }
0x6e: {  	_ =	shalt  }
0x6f: {  	_ =	shalt  }
0x70: {  	_ =	shalt  }
0x71: {  	_ =	shalt  }
0x72: {  	_ =	shalt  }
0x73: {  	_ =	shalt  }
0x74: {  	_ =	shalt  }
0x75: {  	_ =	shalt  }
0x76: {  	_ =	shalt  }
0x77: {  	_ =	shalt  }
0x78: {  	_ =	shalt  }
0x79: {  	_ =	shalt  }
0x7a: {  	_ =	shalt  }
0x7b: {  	_ =	shalt  }
0x7c: {  	_ =	shalt  }
0x7d: {  	_ =	shalt  }
0x7e: {  	_ =	shalt  }
0x7f: {  	_ =	shalt  }
0x80: {  	_ =	shalt  }
0x81: {  	_ =	shalt  }
0x82: {  	_ =	shalt  }
0x83: {  	_ =	shalt  }
0x84: {  	_ =	shalt  }
0x85: {  	_ =	shalt  }
0x86: {  	_ =	shalt  }
0x87: {  	_ =	shalt  }
.Lfunc_end0:
.L_simem_size_0:
called_computation.1_lowered:
.L_overlay_start_0:
0x88: {  	s2 =	sld [smem:$0x3FD9]  }
0x89: {  	s3 =	sld [smem:$0x3FFE];
	_ =	sdelay $0x1  }
0x8a: {  	s1 =	srdreg.scid  }
0x8b: {  	s0 =	sand.u32 $0x1, s1  }
0x8c: {  	s16 =	sshll.u32 s0, $0xA;
	s2 =	sadd.s32 s3, s2  }
0x8d: {  	s2 =	sadd.s32 s2, s16  }
0x8e: {  	[smem:$0x3FB8] =	sst s2  }
0x8f: {  	_ = 	snop  }
0x90: {  	(tm) =	ssettm $0x1  }
0x91: {  	s17 =	sld [smem:$0x3FFB];
	_ =	sdelay $0x3  }
0x92: {  	_ =	strace s17  }
0x93: {  	s2 =	sld [smem:$0x3FFC];
	_ =	sdelay $0x3  }
0x94: {  	_ =	strace s2  }
0x95: {  	s2 =	sld [smem:$0x3FFD];
	_ =	sdelay $0x3  }
0x96: {  	_ =	strace s2  }
0x97: {  	_ =	strace $0x8FFFFFFF  }
0x98: {  	s18 =	sld [smem:$0x3FDB];
	_ =	sdelay $0x1  }
0x99: {  	s19 =	simm.s32 $_scs_section_size  }
0x9a: {  	s4 =	simm.s32 $_size__tile_overlayer_lowered;
	s5 =	simm.s32 $_tile_overlayer_lowered  }
0x9b: {  	s22 =	simm.s32 $0x1BFF;
	s21 =	sshll.u32 s5, $0x1;
	s2 =	sadd.s32 s19, s18  }
0x9c: {  	s6 =	simm.s32 $0x0;
	s20 =	sshll.u32 s4, $0x1;
	s4 =	sadd.s32 s21, s2  }
0x9d: {  	[timem:s6], [sflag:s22] =	dma.local [hbm:s4], s20  }
0x9e: {  	_ =	swait.ge [sflag:s22], s20  }
0x9f: {  	s3 =	ssub.s32 $0x0, s20;
	[sflag:s22] =	ssyncset.done $0x0  }
0xa0: {  	[sflag:s22] =	ssyncadd.s32 s3;
	_ =	sdelay $0x1  }
0xa1: {  	s23 =	simm.s32 $0x1B8B  }
0xa2: {  	_ =	swait.ge [sflag:s23], $0x1  }
0xa3: {  	[sflag:s23] =	ssyncset.done $0x0  }
0xa4: {  	s25 =	simm.s32 $0x1B8E;
	s24 =	sld [smem:$0x3FFE];
	[sflag:s23] =	ssyncadd.s32 $0xFFFFFFFF  }
0xa5: {  	s26 =	simm.s32 $execute0_lowered;
	[smem:$0x3FD2] =	sst s25  }
0xa6: {  	s4 =	sshll.u32 s26, $0x1;
	_ =	strace $0x80000046;
	[dreg:$0x1] =	wrdreg $0xFFFFFFFF  }
0xa7: {  	s28 =	simm.s32 $_size_execute0_lowered;
	s2 =	sadd.s32 s2, s4;
	[dreg:$0x0] =	wrdreg $0x0  }
0xa8: {  	s4 =	sshll.u32 s28, $0x1;
	[dreg:$0x2] =	wrdreg s2  }
0xa9: {  	[dreg:$0x3] =	wrdreg s4  }
0xaa: {  	[dreg:$0x4] =	wrdreg $0xC0  }
0xab: {  	_ =	task [dreg:s6], $0x5FFFF  }
0xac: {  	[dreg:$0x1] =	wrdreg $0xFFFFFFFF  }
0xad: {  	[dreg:$0x0] =	wrdreg $0x60  }
0xae: {  	[dreg:$0x2] =	wrdreg s24  }
0xaf: {  	[dreg:$0x3] =	wrdreg $0xA  }
0xb0: {  	_ =	task.clear_ibuf [dreg:s6], $0x4FFFF;
	_ =	strace $0x90000046  }
0xb1: {  	s29 =	simm.s32 $0xA;
	_ =	strace $0x80000048  }
0xb2: {  	_ =	swait.ge [sflag:s29], $0x1  }
0xb3: {  	[sflag:s29] =	ssyncadd.s32 $0xFFFFFFFF  }
0xb4: {  	_ =	strace $0x90000048  }
0xb5: {  	_ =	sfence  }
0xb6: {  	s30 =	sld [smem:$0x0];
	_ =	sdelay $0x2  }
0xb7: {  	s31 =	sshll.u32 s1, $0xD;
	s1 =	sshrl.u32 s1, $0x2  }
0xb8: {  	s3 =	sand.u32 $0x4000, s31;
	s1 =	sadd.s32 s1, s30  }
0xb9: {  	s0 =	sor.u32 s3, s0;
	s1 =	sshll.u32 s1, $0x11  }
0xba: {  	s0 =	sor.u32 s1, s0  }
0xbb: {  	s0 =	sadd.s32 $0x8F2B, s0  }
0xbc: {  	[sflag:s0] =	ssyncadd.remote.s32 $0x1  }
0xbd: {  	_ =	sfence.sel $0xFFFF  }
0xbe: {  	[dreg:$0x0] =	wrdreg $0xFFFFFFFF;
	(pc) =	sbr.abs _section_cstart, $3  }
0xbf: {  	[dreg:$0x1] =	wrdreg $0xFFFFFFFF  }
0xc0: {  	_ =	task.clear_ibuf [dreg:s6], $0x2FFFF;
	_ =	strace $0x9FFFFFFF  }
0xc1: {  	(tm) =	ssettm $0x7FFFFFFF  }
tec
execute0_lowered:
.L_overlay_start_1:
0x0: {  	(tag) =	ssettag $0x1  }
0x1: {  	s4 =	rddreg [dreg:$0x0]  }
0x2: {  	s0 =	rddreg [dreg:$0x1];
	s3 =	srdreg.scid  }
0x3: {  	s2 =	simm.s32 $0x0;
	s1 =	stileid.u32;
	s11 =	simm.s32 $0x100  }
0x4: {  	s12 =	simm.s32 $0x4100;
	s13 =	simm.s32 $0x1;
	s14 =	simm.s32 $0x2  }
0x5: {  	s15 =	simm.s32 $0x0;
	s5 =	sand.u32 $0x1, s3;
	[smem:$0x7FF] =	sst s2  }
0x6: {  	s6 =	sshll.u32 s1, $0xA;
	s3 =	sadd.s32 $0x6000, s4;
	s29 =	sshll.u32 s1, $0xE  }
0x7: {  	s7 =	sshll.u32 s5, $0x9;
	_ =	strace $0x80000047;
	s8 =	ssub.s32 $0x2, s5  }
0x8: {  	s5 =	sshll.u32 s5, $0xD;
	s6 =	sor.u32 s7, s6;
	s9 =	sshrl.u32 s8, $0x1  }
0x9: {  	s7 =	sadd.s32 s29, s4;
	s6 =	sshrl.u32 s6, $0x3;
	s30 =	ssub.s32 s8, s9  }
0xa: {  	s31 =	sadd.s32 s5, s7;
	s9 =	simm.s32 $0x3;
	s10 =	sadd.s32 s6, s4  }
0xb: {  	s4 =	smax.u32 s30, $0x1;
	s5 =	sadd.s32 $0x49800, s31;
	s6 =	sadd.s32 $0x89800, s31  }
0xc: {  	s7 =	sadd.s32 $0x46000, s10;
	s8 =	sadd.s32 $0x46800, s10;
	s10 =	simm.s32 $0x80  }
.LBB2_1:
0xd: {  	s16 =	sadd.s32 $0x0, s8  }
0xe: {  	[tilespmem:s2], [sflag:$0x3] =	stream.linear.gather [hbm4b:s16+s2], $0x80, $0x38;
	[tilespmem:$0x8100] =	vst v63  }
0xf: {  	_ =	swait.ge [sflag:s9], $0x80  }
0x10: {  	[sflag:s9] =	ssyncset.done $0x0  }
0x11: {  	s31 =	sadd.s32 $0x0, s7;
	[sflag:s9] =	ssyncadd.s32 $0xFFFFFF80  }
0x12: {  	[tilespmem:s10], [sflag:$0x3] =	stream.linear.gather [hbm4b:s31+s2], $0x80, $0x38;
	[tilespmem:$0x8100] =	vst v63  }
0x13: {  	_ =	swait.ge [sflag:s9], $0x80  }
0x14: {  	[sflag:s9] =	ssyncset.done $0x0  }
0x15: {  	[sflag:s9] =	ssyncadd.s32 $0xFFFFFF80  }
0x16: {  	[tilespmem:s11], [sflag:$0x1] =	stream.indirect.gather [hbm4b:s3+s10], $0x80, s2, s10, $0xb8;
	[tilespmem:$0x8100] =	vst v63  }
0x17: {  	_ = 	snop  }
0x18: {  	[tilespmem:s12], [sflag:$0x2] =	stream.indirect.gather [hbm4b:s3+s10], $0x80, s10, s10, $0xb8;
	[tilespmem:$0x8100] =	vst v63  }
0x19: {  	_ =	swait.ge [sflag:s13], $0x4000  }
0x1a: {  	[sflag:s13] =	ssyncset.done $0x0  }
0x1b: {  	[sflag:s13] =	ssyncadd.s32 $0xFFFFC000  }
0x1c: {  	_ =	swait.ge [sflag:s14], $0x4000  }
0x1d: {  	[sflag:s14] =	ssyncset.done $0x0  }
0x1e: {  	[sflag:s14] =	ssyncadd.s32 $0xFFFFC000  }
0x1f: {  	[hbm4b:s5+s2] =	stream.linear.scatter [tilespmem:s11], [sflag:$0x3], $0x4000, $0x38;
	[tilespmem:$0x8100] =	vst v63  }
0x20: {  	_ =	swait.ge [sflag:s9], $0x4000  }
0x21: {  	[sflag:s9] =	ssyncset.done $0x0  }
0x22: {  	[sflag:s9] =	ssyncadd.s32 $0xFFFFC000  }
0x23: {  	[hbm4b:s6+s2] =	stream.linear.scatter [tilespmem:s12], [sflag:$0x3], $0x4000, $0x38;
	[tilespmem:$0x8100] =	vst v63  }
0x24: {  	s18 =	simm.s32 $0x10;
	s19 =	simm.s32 $0x20;
	_ =	swait.ge [sflag:s9], $0x4000  }
0x25: {  	s17 =	sadd.s32 $0x800, s5;
	s16 =	sadd.s32 $0x800, s6;
	[sflag:s9] =	ssyncset.done $0x0  }
.LBB2_2:
0x26: {  	s20 =	sadd.s32 s18, s8  }
0x27: {  	[sflag:s9] =	ssyncadd.s32 $0xFFFFC000;
	s21 =	smov.u32 s19;
	s22 =	sadd.s32 $0x10, s19  }
0x28: {  	[tilespmem:s2], [sflag:$0x3] =	stream.linear.gather [hbm4b:s20+s2], $0x80, $0x38;
	[tilespmem:$0x8100] =	vst v63  }
0x29: {  	p0 =	sne.s32 s19, $0x30;
	_ =	swait.ge [sflag:s9], $0x80  }
0x2a: {  	[sflag:s9] =	ssyncset.done $0x0  }
0x2b: {  	s19 =	sadd.s32 s18, s7;
	s18 =	smov.u32 s21;
	[sflag:s9] =	ssyncadd.s32 $0xFFFFFF80  }
0x2c: {  	[tilespmem:s10], [sflag:$0x3] =	stream.linear.gather [hbm4b:s19+s2], $0x80, $0x38;
	[tilespmem:$0x8100] =	vst v63  }
0x2d: {  	_ =	swait.ge [sflag:s9], $0x80  }
0x2e: {  	[sflag:s9] =	ssyncset.done $0x0  }
0x2f: {  	[sflag:s9] =	ssyncadd.s32 $0xFFFFFF80  }
0x30: {  	[tilespmem:s11], [sflag:$0x1] =	stream.indirect.gather [hbm4b:s3+s10], $0x80, s2, s10, $0xb8;
	[tilespmem:$0x8100] =	vst v63  }
0x31: {  	_ = 	snop  }
0x32: {  	[tilespmem:s12], [sflag:$0x2] =	stream.indirect.gather [hbm4b:s3+s10], $0x80, s10, s10, $0xb8;
	[tilespmem:$0x8100] =	vst v63  }
0x33: {  	_ =	swait.ge [sflag:s13], $0x4000  }
0x34: {  	[sflag:s13] =	ssyncset.done $0x0  }
0x35: {  	[sflag:s13] =	ssyncadd.s32 $0xFFFFC000  }
0x36: {  	_ =	swait.ge [sflag:s14], $0x4000  }
0x37: {  	[sflag:s14] =	ssyncset.done $0x0  }
0x38: {  	[sflag:s14] =	ssyncadd.s32 $0xFFFFC000  }
0x39: {  	[hbm4b:s17+s2] =	stream.linear.scatter [tilespmem:s11], [sflag:$0x3], $0x4000, $0x38;
	[tilespmem:$0x8100] =	vst v63  }
0x3a: {  	_ =	swait.ge [sflag:s9], $0x4000  }
.Ltmp0:
0x3b: {  	[sflag:s9] =	ssyncset.done $0x0;
	(pc) =	sbr.rel @p0 .LBB2_2-.Ltmp0, $4  }
0x3c: {  	[sflag:s9] =	ssyncadd.s32 $0xFFFFC000  }
0x3d: {  	[hbm4b:s16+s2] =	stream.linear.scatter [tilespmem:s12], [sflag:$0x3], $0x4000, $0x38;
	[tilespmem:$0x8100] =	vst v63  }
0x3e: {  	s19 =	smov.u32 s22;
	_ =	swait.ge [sflag:s9], $0x4000  }
0x3f: {  	s17 =	sadd.s32 $0x800, s17;
	s16 =	sadd.s32 $0x800, s16;
	[sflag:s9] =	ssyncset.done $0x0  }
0x40: {  	s19 =	sadd.s32 s18, s8;
	[sflag:s9] =	ssyncadd.s32 $0xFFFFC000  }
0x41: {  	[tilespmem:s2], [sflag:$0x3] =	stream.linear.gather [hbm4b:s19+s2], $0x80, $0x38;
	[tilespmem:$0x8100] =	vst v63  }
0x42: {  	_ =	swait.ge [sflag:s9], $0x80  }
0x43: {  	[sflag:s9] =	ssyncset.done $0x0  }
0x44: {  	s31 =	sadd.s32 s18, s7;
	[sflag:s9] =	ssyncadd.s32 $0xFFFFFF80  }
0x45: {  	[tilespmem:s10], [sflag:$0x3] =	stream.linear.gather [hbm4b:s31+s2], $0x80, $0x38;
	[tilespmem:$0x8100] =	vst v63  }
0x46: {  	_ =	swait.ge [sflag:s9], $0x80  }
0x47: {  	[sflag:s9] =	ssyncset.done $0x0  }
0x48: {  	[sflag:s9] =	ssyncadd.s32 $0xFFFFFF80  }
0x49: {  	[tilespmem:s11], [sflag:$0x1] =	stream.indirect.gather [hbm4b:s3+s10], $0x80, s2, s10, $0xb8;
	[tilespmem:$0x8100] =	vst v63  }
0x4a: {  	_ = 	snop  }
0x4b: {  	[tilespmem:s12], [sflag:$0x2] =	stream.indirect.gather [hbm4b:s3+s10], $0x80, s10, s10, $0xb8;
	[tilespmem:$0x8100] =	vst v63  }
0x4c: {  	_ =	swait.ge [sflag:s13], $0x4000  }
0x4d: {  	[sflag:s13] =	ssyncset.done $0x0  }
0x4e: {  	[sflag:s13] =	ssyncadd.s32 $0xFFFFC000  }
0x4f: {  	_ =	swait.ge [sflag:s14], $0x4000  }
0x50: {  	[sflag:s14] =	ssyncset.done $0x0  }
0x51: {  	[sflag:s14] =	ssyncadd.s32 $0xFFFFC000  }
0x52: {  	[hbm4b:s17+s2] =	stream.linear.scatter [tilespmem:s11], [sflag:$0x3], $0x4000, $0x38;
	[tilespmem:$0x8100] =	vst v63  }
0x53: {  	s15 =	sadd.s32 $0x1, s15;
	_ =	swait.ge [sflag:s9], $0x4000  }
0x54: {  	p0 =	sne.s32 s15, s4;
	[sflag:s9] =	ssyncset.done $0x0  }
.Ltmp1:
0x55: {  	[sflag:s9] =	ssyncadd.s32 $0xFFFFC000;
	(pc) =	sbr.rel @p0 .LBB2_1-.Ltmp1, $4  }
0x56: {  	[hbm4b:s16+s2] =	stream.linear.scatter [tilespmem:s12], [sflag:$0x3], $0x4000, $0x38;
	[tilespmem:$0x8100] =	vst v63  }
0x57: {  	_ =	swait.ge [sflag:s9], $0x4000  }
0x58: {  	[sflag:s9] =	ssyncset.done $0x0  }
0x59: {  	[sflag:s9] =	ssyncadd.s32 $0xFFFFC000  }
0x5a: {  	_ =	sfence.sel $0x180000  }
0x5b: {  	[bflag:$0x0] =	sbarrier.arrive $0xFFFF  }
0x5c: {  	p0 =	sne.s32 s1, $0x0;
	_ =	strace $0x90000047  }
0x5d: {  	s0 =	sadd.s32 @!p0 $0x100000, s0;
	[bflag:$0x2] =	sbarrier.arrive $0xFFFF  }
0x5e: {  	[sflag:s0] =	ssyncadd.tile.s32 @!p0 $0x1;
	_ =	shalt  }
.Lfunc_end2:
_tile_overlayer_lowered:
.L_overlay_start_2:
0x5f: {  	(tag) =	ssettag $0x2  }
0x60: {  	s0 =	rddreg [dreg:$0x0];
	s2 =	stileid.u32  }
0x61: {  	s1 =	rddreg [dreg:$0x1];
	p0 =	sne.s32 s2, $0x0  }
0x62: {  	s3 =	rddreg [dreg:$0x2];
	[bflag:$0x3] =	sbarrier.arrive $0xFFFF;
	s2 =	simm.s32 @!p0 $0x1C03  }
0x63: {  	[timem:s3], [sflag:s2] =	dma.local @!p0 [hbm:s0], s1  }
0x64: {  	s0 =	simm.s32 @!p0 $0x3  }
0x65: {  	_ =	swait.ge @!p0 [sflag:s0], s1  }
0x66: {  	s1 =	ssub.s32 @!p0 $0x0, s1;
	[sflag:s0] =	ssyncset.done @!p0 $0x0  }
0x67: {  	[sflag:s0] =	ssyncadd.s32 @!p0 s1  }
0x68: {  	[bflag:$0x3] =	sbarrier.arrive $0xFFFF  }
0x69: {  	_ =	shalt  }

// kernel: kernel.18.cloned.1.call-start
scs
__scs_entry_jumppad:
0x0: {  	(pc) =	sbr.rel $0x88, $3  }
0x1: {  	(tag) =	ssettag $0x0;
	lr =	simm.s32 $0x1  }
0x2: {  	[smem:$0x3F91] =	sst lr;
	_ =	strace $0xD0000000  }
0x3: {  	_ = 	snop  }
0x4: {  	_ = 	snop  }
0x5: {  	_ = 	snop  }
0x6: {  	_ = 	snop  }
0x7: {  	_ = 	snop  }
__scs_overlays_trampoline_lowered:
0x8: {  	[smem:$0x3FA0] =	sst s0  }
0x9: {  	[smem:$0x3FA1] =	sst s1  }
0xa: {  	[smem:$0x3FA2] =	sst s2  }
0xb: {  	[smem:$0x3FA3] =	sst s3  }
0xc: {  	[smem:$0x3FA4] =	sst s4  }
0xd: {  	[smem:$0x3FA5] =	sst s5  }
0xe: {  	[smem:$0x3FA6] =	sst s6  }
0xf: {  	[smem:$0x3FA7] =	sst s7  }
0x10: {  	[smem:$0x3FA8] =	sst s8  }
0x11: {  	[smem:$0x3FA9] =	sst s9;
	s0 =	simm.s32 @!p0 $0x0  }
0x12: {  	s1 =	sld [smem:$0x3F8F];
	s0 =	simm.s32 @p0 $0x1  }
0x13: {  	[smem:$0x3FAA] =	sst s0;
	s0 =	simm.s32 @!p1 $0x0  }
0x14: {  	s2 =	sld [smem:$0x3F8E];
	s0 =	simm.s32 @p1 $0x1  }
0x15: {  	[smem:$0x3FAB] =	sst s0;
	s0 =	simm.s32 @!p2 $0x0  }
0x16: {  	s3 =	sld [smem:$0x3FDB];
	s0 =	simm.s32 @p2 $0x1  }
0x17: {  	s4 =	simm.s32 $0x1BF5;
	[smem:$0x3FAD] =	sst s0  }
0x18: {  	s0 =	sld [smem:$0x3F90];
	_ =	swait.ge [sflag:s4], $0x0  }
0x19: {  	s7 =	sld [smem:$0x3F91]  }
0x1a: {  	s8 =	sadd.s32 $0xFFFFE003, lr  }
0x1b: {  	s9 =	sadd.s32 $0xFFFFFEF7, lr;
	s5 =	simm.s32 $0xFFFFFFFF;
	p2 =	slt.u32 s8, $0xFFFFF086  }
0x1c: {  	p1 =	slt.u32 s9, $0xF7A;
	s5 =	simm.s32 @!p2 $0x0  }
0x1d: {  	s5 =	simm.s32 @p1 $0x1;
	p0 =	seq.s32 s7, s2  }
0x1e: {  	s7 =	smul.u32 @!p0 $0xF7A, s2;
	p2 =	seq.s32 @!p0 s5, $0x0  }
0x1f: {  	s9 =	smul.u32 $0xF7A, s1;
	s8 =	simm.s32 @!p0 $0x1BF5;
	p2 =	por !p2, p0  }
0x20: {  	[sflag:s8] =	ssyncset.s32 @!p0 $0xFFFFF086;
	s6 =	sadd.s32 @!p0 s3, s7;
	s7 =	simm.s32 @!p0 $0x108  }
0x21: {  	s3 =	sadd.s32 s3, s9;
	s6 =	sadd.s32 @!p0 $0x88, s6;
	s7 =	simm.s32 @p2 $0x1082  }
0x22: {  	[simem:s7], [sflag:s8] =	dma.local @!p0 [hbm:s6], $0xF7A  }
0x23: {  	s9 =	sor.u32 $0xD0000000, s2;
	s6 =	simm.s32 $0x108;
	_ =	swait.ge @!p0 [sflag:s8], $0x0  }
0x24: {  	s3 =	sadd.s32 $0x88, s3;
	s6 =	simm.s32 @!p1 $0x1082;
	[sflag:s4] =	ssyncset.s32 $0xFFFFF086  }
0x25: {  	[simem:s6], [sflag:s4] =	dma.local [hbm:s3], $0xF7A  }
0x26: {  	[smem:$0x3F91] =	sst s1;
	(tag) =	ssettag s2;
	_ =	strace s9  }
0x27: {  	s1 =	sld [smem:$0x3FA1]  }
0x28: {  	s2 =	sld [smem:$0x3FA2]  }
0x29: {  	s4 =	sld [smem:$0x3FA4]  }
0x2a: {  	p0 =	seq.s32 s5, $0x0;
	s5 =	sld [smem:$0x3FA5]  }
0x2b: {  	s6 =	sld [smem:$0x3FA6]  }
0x2c: {  	s7 =	sld [smem:$0x3FA7]  }
0x2d: {  	s3 =	simm.s32 $0x108;
	s8 =	sld [smem:$0x3FA8]  }
0x2e: {  	s3 =	simm.s32 @!p0 $0x1082;
	s9 =	sld [smem:$0x3FA9]  }
0x2f: {  	lr =	sadd.s32 s0, s3;
	s0 =	sld [smem:$0x3FA0]  }
0x30: {  	s3 =	sld [smem:$0x3FA3]  }
0x31: {  	[smem:$0x3FAC] =	sst s10  }
0x32: {  	s10 =	sld [smem:$0x3FAA];
	_ =	sdelay $0x3  }
0x33: {  	p0 =	seq.s32 s10, $0x1;
	s10 =	sld [smem:$0x3FAC];
	_ =	sdelay $0x3  }
0x34: {  	[smem:$0x3FAC] =	sst s10  }
0x35: {  	s10 =	sld [smem:$0x3FAB];
	_ =	sdelay $0x3  }
0x36: {  	p1 =	seq.s32 s10, $0x1;
	s10 =	sld [smem:$0x3FAC];
	_ =	sdelay $0x3  }
0x37: {  	[smem:$0x3FAC] =	sst s10  }
0x38: {  	s10 =	sld [smem:$0x3FAD]  }
0x39: {  	_ = 	snop;
	(pc) =	sbr.ind lr, $3  }
0x3a: {  	_ = 	snop  }
0x3b: {  	_ = 	snop  }
0x3c: {  	p2 =	seq.s32 s10, $0x1;
	s10 =	sld [smem:$0x3FAC]  }
0x3d: {  	_ =	shalt  }
0x3e: {  	_ =	shalt  }
0x3f: {  	_ =	shalt  }
0x40: {  	_ =	shalt  }
0x41: {  	_ =	shalt  }
0x42: {  	_ =	shalt  }
0x43: {  	_ =	shalt  }
0x44: {  	_ =	shalt  }
0x45: {  	_ =	shalt  }
0x46: {  	_ =	shalt  }
0x47: {  	_ =	shalt  }
0x48: {  	_ =	shalt  }
0x49: {  	_ =	shalt  }
0x4a: {  	_ =	shalt  }
0x4b: {  	_ =	shalt  }
0x4c: {  	_ =	shalt  }
0x4d: {  	_ =	shalt  }
0x4e: {  	_ =	shalt  }
0x4f: {  	_ =	shalt  }
0x50: {  	_ =	shalt  }
0x51: {  	_ =	shalt  }
0x52: {  	_ =	shalt  }
0x53: {  	_ =	shalt  }
0x54: {  	_ =	shalt  }
0x55: {  	_ =	shalt  }
0x56: {  	_ =	shalt  }
0x57: {  	_ =	shalt  }
0x58: {  	_ =	shalt  }
0x59: {  	_ =	shalt  }
0x5a: {  	_ =	shalt  }
0x5b: {  	_ =	shalt  }
0x5c: {  	_ =	shalt  }
0x5d: {  	_ =	shalt  }
0x5e: {  	_ =	shalt  }
0x5f: {  	_ =	shalt  }
0x60: {  	_ =	shalt  }
0x61: {  	_ =	shalt  }
0x62: {  	_ =	shalt  }
0x63: {  	_ =	shalt  }
0x64: {  	_ =	shalt  }
0x65: {  	_ =	shalt  }
0x66: {  	_ =	shalt  }
0x67: {  	_ =	shalt  }
0x68: {  	_ =	shalt  }
0x69: {  	_ =	shalt  }
0x6a: {  	_ =	shalt  }
0x6b: {  	_ =	shalt  }
0x6c: {  	_ =	shalt  }
0x6d: {  	_ =	shalt  }
0x6e: {  	_ =	shalt  }
0x6f: {  	_ =	shalt  }
0x70: {  	_ =	shalt  }
0x71: {  	_ =	shalt  }
0x72: {  	_ =	shalt  }
0x73: {  	_ =	shalt  }
0x74: {  	_ =	shalt  }
0x75: {  	_ =	shalt  }
0x76: {  	_ =	shalt  }
0x77: {  	_ =	shalt  }
0x78: {  	_ =	shalt  }
0x79: {  	_ =	shalt  }
0x7a: {  	_ =	shalt  }
0x7b: {  	_ =	shalt  }
0x7c: {  	_ =	shalt  }
0x7d: {  	_ =	shalt  }
0x7e: {  	_ =	shalt  }
0x7f: {  	_ =	shalt  }
0x80: {  	_ =	shalt  }
0x81: {  	_ =	shalt  }
0x82: {  	_ =	shalt  }
0x83: {  	_ =	shalt  }
0x84: {  	_ =	shalt  }
0x85: {  	_ =	shalt  }
0x86: {  	_ =	shalt  }
0x87: {  	_ =	shalt  }
.Lfunc_end0:
.L_simem_size_0:
called_computation.2_lowered:
.L_overlay_start_0:
0x88: {  	s2 =	sld [smem:$0x3FD9]  }
0x89: {  	s3 =	sld [smem:$0x3FFE];
	_ =	sdelay $0x1  }
0x8a: {  	s1 =	srdreg.scid  }
0x8b: {  	s0 =	sand.u32 $0x1, s1  }
0x8c: {  	s17 =	sshll.u32 s0, $0xA;
	s2 =	sadd.s32 s3, s2  }
0x8d: {  	s2 =	sadd.s32 s2, s17  }
0x8e: {  	[smem:$0x3FB8] =	sst s2  }
0x8f: {  	_ = 	snop  }
0x90: {  	(tm) =	ssettm $0x1  }
0x91: {  	s18 =	sld [smem:$0x3FFB];
	_ =	sdelay $0x3  }
0x92: {  	_ =	strace s18  }
0x93: {  	s2 =	sld [smem:$0x3FFC];
	_ =	sdelay $0x3  }
0x94: {  	_ =	strace s2  }
0x95: {  	s2 =	sld [smem:$0x3FFD];
	_ =	sdelay $0x3  }
0x96: {  	_ =	strace s2  }
0x97: {  	_ =	strace $0x8FFFFFFF  }
0x98: {  	s19 =	sld [smem:$0x3FDB];
	_ =	sdelay $0x1  }
0x99: {  	s20 =	simm.s32 $_scs_section_size  }
0x9a: {  	s4 =	simm.s32 $_size__tile_overlayer_lowered;
	s5 =	simm.s32 $_tile_overlayer_lowered  }
0x9b: {  	s6 =	simm.s32 $0x1BFF;
	s21 =	sshll.u32 s5, $0x1;
	s3 =	sadd.s32 s20, s19  }
0x9c: {  	s22 =	simm.s32 $0x0;
	s4 =	sshll.u32 s4, $0x1;
	s5 =	sadd.s32 s21, s3  }
0x9d: {  	[timem:s22], [sflag:s6] =	dma.local [hbm:s5], s4  }
0x9e: {  	_ =	swait.ge [sflag:s6], s4  }
0x9f: {  	s4 =	ssub.s32 $0x0, s4;
	[sflag:s6] =	ssyncset.done $0x0  }
0xa0: {  	[sflag:s6] =	ssyncadd.s32 s4;
	_ =	sdelay $0x1  }
0xa1: {  	s23 =	simm.s32 $0x1B8B  }
0xa2: {  	_ =	swait.ge [sflag:s23], $0x1  }
0xa3: {  	[sflag:s23] =	ssyncset.done $0x0  }
0xa4: {  	[sflag:s23] =	ssyncadd.s32 $0xFFFFFFFF  }
0xa5: {  	s4 =	sld [smem:$0x0]  }
0xa6: {  	s5 =	sand.u32 $0xFFFFFFFE, s1  }
0xa7: {  	p0 =	sne.s32 s1, s5  }
0xa8: {  	s5 =	sshll.u32 @p0 s5, $0xE  }
0xa9: {  	s5 =	sadd.s32 @p0 $0x11B8D, s5;
	s6 =	sshll.u32 @p0 s4, $0x11  }
0xaa: {  	s5 =	sor.u32 @p0 s6, s5  }
0xab: {  	[sflag:s5] =	ssyncadd.remote.s32 @p0 $0x1;
	_ =	sdelay $0x1  }
0xac: {  	s5 =	simm.s32 @p0 $0x1B8D  }
0xad: {  	_ =	swait.eq @p0 [sflag:s5], $0x1  }
0xae: {  	[sflag:s5] =	ssyncadd.s32 @p0 $0xFFFFFFFF  }
0xaf: {  	s6 =	sshll.u32 @!p0 s1, $0xE  }
0xb0: {  	s6 =	sor.u32 @!p0 $0x4000, s6;
	s5 =	simm.s32 @!p0 $0x1B8D  }
0xb1: {  	s4 =	sshll.u32 @!p0 s4, $0x11;
	s6 =	sadd.s32 @!p0 $0x11B8D, s6;
	_ =	swait.eq @!p0 [sflag:s5], $0x1  }
0xb2: {  	s4 =	sor.u32 @!p0 s4, s6;
	[sflag:s5] =	ssyncadd.s32 @!p0 $0xFFFFFFFF  }
0xb3: {  	s25 =	simm.s32 $0x1B8E;
	s24 =	sld [smem:$0x3FFE];
	[sflag:s4] =	ssyncadd.remote.s32 @!p0 $0x1  }
0xb4: {  	s26 =	simm.s32 $execute0_lowered;
	[smem:$0x3FD2] =	sst s25  }
0xb5: {  	s5 =	sshll.u32 s26, $0x1;
	_ =	strace $0x80000049;
	[dreg:$0x1] =	wrdreg $0xFFFFFFFF  }
0xb6: {  	s28 =	simm.s32 $_size_execute0_lowered;
	s3 =	sadd.s32 s3, s5;
	[dreg:$0x0] =	wrdreg $0x0  }
0xb7: {  	s5 =	sshll.u32 s28, $0x1;
	[dreg:$0x2] =	wrdreg s3  }
0xb8: {  	[dreg:$0x3] =	wrdreg s5  }
0xb9: {  	[dreg:$0x4] =	wrdreg $0xC0  }
0xba: {  	_ =	task [dreg:s22], $0x5FFFF  }
0xbb: {  	[dreg:$0x1] =	wrdreg $0xFFFFFFFF  }
0xbc: {  	[dreg:$0x0] =	wrdreg $0x60  }
0xbd: {  	[dreg:$0x2] =	wrdreg s24  }
0xbe: {  	[dreg:$0x3] =	wrdreg $0xB  }
0xbf: {  	_ =	task.clear_ibuf [dreg:s22], $0x4FFFF;
	_ =	strace $0x90000049  }
0xc0: {  	s29 =	simm.s32 $0xB;
	_ =	strace $0x8000004B  }
0xc1: {  	_ =	swait.ge [sflag:s29], $0x1  }
0xc2: {  	[sflag:s29] =	ssyncadd.s32 $0xFFFFFFFF  }
0xc3: {  	_ =	strace $0x9000004B  }
0xc4: {  	_ =	sfence  }
0xc5: {  	s30 =	sld [smem:$0x0];
	_ =	sdelay $0x2  }
0xc6: {  	s31 =	sshll.u32 s1, $0xD;
	s1 =	sshrl.u32 s1, $0x2  }
0xc7: {  	s4 =	sand.u32 $0x4000, s31;
	s1 =	sadd.s32 s1, s30  }
0xc8: {  	s0 =	sor.u32 s4, s0;
	s1 =	sshll.u32 s1, $0x11  }
0xc9: {  	s0 =	sor.u32 s1, s0  }
0xca: {  	s0 =	sadd.s32 $0x8F2B, s0  }
0xcb: {  	[sflag:s0] =	ssyncadd.remote.s32 $0x1  }
0xcc: {  	_ =	sfence.sel $0xFFFF  }
0xcd: {  	[dreg:$0x0] =	wrdreg $0xFFFFFFFF;
	(pc) =	sbr.abs _section_cstart, $3  }
0xce: {  	[dreg:$0x1] =	wrdreg $0xFFFFFFFF  }
0xcf: {  	_ =	task.clear_ibuf [dreg:s22], $0x2FFFF;
	_ =	strace $0x9FFFFFFF  }
0xd0: {  	(tm) =	ssettm $0x7FFFFFFF  }
0xd1: {  	_ =	shalt  }
tec
execute0_lowered:
.L_overlay_start_1:
0x0: {  	(tag) =	ssettag $0x1  }
0x1: {  	s4 =	rddreg [dreg:$0x0]  }
0x2: {  	s0 =	rddreg [dreg:$0x1];
	s3 =	srdreg.scid  }
0x3: {  	s2 =	simm.s32 $0x0;
	s1 =	stileid.u32;
	s11 =	simm.s32 $0x100  }
0x4: {  	s12 =	simm.s32 $0x4100;
	s13 =	simm.s32 $0x1;
	s14 =	simm.s32 $0x2  }
0x5: {  	s15 =	simm.s32 $0x0;
	s5 =	sand.u32 $0x1, s3;
	[smem:$0x7FF] =	sst s2  }
0x6: {  	s6 =	sshll.u32 s1, $0xA;
	s3 =	sadd.s32 $0x6000, s4;
	s29 =	sshll.u32 s1, $0xE  }
0x7: {  	s7 =	sshll.u32 s5, $0x9;
	_ =	strace $0x8000004A;
	s8 =	ssub.s32 $0x2, s5  }
0x8: {  	s5 =	sshll.u32 s5, $0xD;
	s6 =	sor.u32 s7, s6;
	s9 =	sshrl.u32 s8, $0x1  }
0x9: {  	s7 =	sadd.s32 s29, s4;
	s6 =	sshrl.u32 s6, $0x3;
	s30 =	ssub.s32 s8, s9  }
0xa: {  	s31 =	sadd.s32 s5, s7;
	s9 =	simm.s32 $0x3;
	s10 =	sadd.s32 s6, s4  }
0xb: {  	s4 =	smax.u32 s30, $0x1;
	s5 =	sadd.s32 $0xC9800, s31;
	s6 =	sadd.s32 $0x109800, s31  }
0xc: {  	s7 =	sadd.s32 $0x47000, s10;
	s8 =	sadd.s32 $0x47800, s10;
	s10 =	simm.s32 $0x80  }
.LBB2_1:
0xd: {  	s16 =	sadd.s32 $0x0, s8  }
0xe: {  	[tilespmem:s2], [sflag:$0x3] =	stream.linear.gather [hbm4b:s16+s2], $0x80, $0x38;
	[tilespmem:$0x8100] =	vst v63  }
0xf: {  	_ =	swait.ge [sflag:s9], $0x80  }
0x10: {  	[sflag:s9] =	ssyncset.done $0x0  }
0x11: {  	s31 =	sadd.s32 $0x0, s7;
	[sflag:s9] =	ssyncadd.s32 $0xFFFFFF80  }
0x12: {  	[tilespmem:s10], [sflag:$0x3] =	stream.linear.gather [hbm4b:s31+s2], $0x80, $0x38;
	[tilespmem:$0x8100] =	vst v63  }
0x13: {  	_ =	swait.ge [sflag:s9], $0x80  }
0x14: {  	[sflag:s9] =	ssyncset.done $0x0  }
0x15: {  	[sflag:s9] =	ssyncadd.s32 $0xFFFFFF80  }
0x16: {  	[tilespmem:s11], [sflag:$0x1] =	stream.indirect.gather [hbm4b:s3+s10], $0x80, s2, s10, $0xb8;
	[tilespmem:$0x8100] =	vst v63  }
0x17: {  	_ = 	snop  }
0x18: {  	[tilespmem:s12], [sflag:$0x2] =	stream.indirect.gather [hbm4b:s3+s10], $0x80, s10, s10, $0xb8;
	[tilespmem:$0x8100] =	vst v63  }
0x19: {  	_ =	swait.ge [sflag:s13], $0x4000  }
0x1a: {  	[sflag:s13] =	ssyncset.done $0x0  }
0x1b: {  	[sflag:s13] =	ssyncadd.s32 $0xFFFFC000  }
0x1c: {  	_ =	swait.ge [sflag:s14], $0x4000  }
0x1d: {  	[sflag:s14] =	ssyncset.done $0x0  }
0x1e: {  	[sflag:s14] =	ssyncadd.s32 $0xFFFFC000  }
0x1f: {  	[hbm4b:s5+s2] =	stream.linear.scatter [tilespmem:s11], [sflag:$0x3], $0x4000, $0x38;
	[tilespmem:$0x8100] =	vst v63  }
0x20: {  	_ =	swait.ge [sflag:s9], $0x4000  }
0x21: {  	[sflag:s9] =	ssyncset.done $0x0  }
0x22: {  	[sflag:s9] =	ssyncadd.s32 $0xFFFFC000  }
0x23: {  	[hbm4b:s6+s2] =	stream.linear.scatter [tilespmem:s12], [sflag:$0x3], $0x4000, $0x38;
	[tilespmem:$0x8100] =	vst v63  }
0x24: {  	s18 =	simm.s32 $0x10;
	s19 =	simm.s32 $0x20;
	_ =	swait.ge [sflag:s9], $0x4000  }
0x25: {  	s17 =	sadd.s32 $0x800, s5;
	s16 =	sadd.s32 $0x800, s6;
	[sflag:s9] =	ssyncset.done $0x0  }
.LBB2_2:
0x26: {  	s20 =	sadd.s32 s18, s8  }
0x27: {  	[sflag:s9] =	ssyncadd.s32 $0xFFFFC000;
	s21 =	smov.u32 s19;
	s22 =	sadd.s32 $0x10, s19  }
0x28: {  	[tilespmem:s2], [sflag:$0x3] =	stream.linear.gather [hbm4b:s20+s2], $0x80, $0x38;
	[tilespmem:$0x8100] =	vst v63  }
0x29: {  	p0 =	sne.s32 s19, $0x30;
	_ =	swait.ge [sflag:s9], $0x80  }
0x2a: {  	[sflag:s9] =	ssyncset.done $0x0  }
0x2b: {  	s19 =	sadd.s32 s18, s7;
	s18 =	smov.u32 s21;
	[sflag:s9] =	ssyncadd.s32 $0xFFFFFF80  }
0x2c: {  	[tilespmem:s10], [sflag:$0x3] =	stream.linear.gather [hbm4b:s19+s2], $0x80, $0x38;
	[tilespmem:$0x8100] =	vst v63  }
0x2d: {  	_ =	swait.ge [sflag:s9], $0x80  }
0x2e: {  	[sflag:s9] =	ssyncset.done $0x0  }
0x2f: {  	[sflag:s9] =	ssyncadd.s32 $0xFFFFFF80  }
0x30: {  	[tilespmem:s11], [sflag:$0x1] =	stream.indirect.gather [hbm4b:s3+s10], $0x80, s2, s10, $0xb8;
	[tilespmem:$0x8100] =	vst v63  }
0x31: {  	_ = 	snop  }
0x32: {  	[tilespmem:s12], [sflag:$0x2] =	stream.indirect.gather [hbm4b:s3+s10], $0x80, s10, s10, $0xb8;
	[tilespmem:$0x8100] =	vst v63  }
0x33: {  	_ =	swait.ge [sflag:s13], $0x4000  }
0x34: {  	[sflag:s13] =	ssyncset.done $0x0  }
0x35: {  	[sflag:s13] =	ssyncadd.s32 $0xFFFFC000  }
0x36: {  	_ =	swait.ge [sflag:s14], $0x4000  }
0x37: {  	[sflag:s14] =	ssyncset.done $0x0  }
0x38: {  	[sflag:s14] =	ssyncadd.s32 $0xFFFFC000  }
0x39: {  	[hbm4b:s17+s2] =	stream.linear.scatter [tilespmem:s11], [sflag:$0x3], $0x4000, $0x38;
	[tilespmem:$0x8100] =	vst v63  }
0x3a: {  	_ =	swait.ge [sflag:s9], $0x4000  }
.Ltmp0:
0x3b: {  	[sflag:s9] =	ssyncset.done $0x0;
	(pc) =	sbr.rel @p0 .LBB2_2-.Ltmp0, $4  }
0x3c: {  	[sflag:s9] =	ssyncadd.s32 $0xFFFFC000  }
0x3d: {  	[hbm4b:s16+s2] =	stream.linear.scatter [tilespmem:s12], [sflag:$0x3], $0x4000, $0x38;
	[tilespmem:$0x8100] =	vst v63  }
0x3e: {  	s19 =	smov.u32 s22;
	_ =	swait.ge [sflag:s9], $0x4000  }
0x3f: {  	s17 =	sadd.s32 $0x800, s17;
	s16 =	sadd.s32 $0x800, s16;
	[sflag:s9] =	ssyncset.done $0x0  }
0x40: {  	s19 =	sadd.s32 s18, s8;
	[sflag:s9] =	ssyncadd.s32 $0xFFFFC000  }
0x41: {  	[tilespmem:s2], [sflag:$0x3] =	stream.linear.gather [hbm4b:s19+s2], $0x80, $0x38;
	[tilespmem:$0x8100] =	vst v63  }
0x42: {  	_ =	swait.ge [sflag:s9], $0x80  }
0x43: {  	[sflag:s9] =	ssyncset.done $0x0  }
0x44: {  	s31 =	sadd.s32 s18, s7;
	[sflag:s9] =	ssyncadd.s32 $0xFFFFFF80  }
0x45: {  	[tilespmem:s10], [sflag:$0x3] =	stream.linear.gather [hbm4b:s31+s2], $0x80, $0x38;
	[tilespmem:$0x8100] =	vst v63  }
0x46: {  	_ =	swait.ge [sflag:s9], $0x80  }
0x47: {  	[sflag:s9] =	ssyncset.done $0x0  }
0x48: {  	[sflag:s9] =	ssyncadd.s32 $0xFFFFFF80  }
0x49: {  	[tilespmem:s11], [sflag:$0x1] =	stream.indirect.gather [hbm4b:s3+s10], $0x80, s2, s10, $0xb8;
	[tilespmem:$0x8100] =	vst v63  }
0x4a: {  	_ = 	snop  }
0x4b: {  	[tilespmem:s12], [sflag:$0x2] =	stream.indirect.gather [hbm4b:s3+s10], $0x80, s10, s10, $0xb8;
	[tilespmem:$0x8100] =	vst v63  }
0x4c: {  	_ =	swait.ge [sflag:s13], $0x4000  }
0x4d: {  	[sflag:s13] =	ssyncset.done $0x0  }
0x4e: {  	[sflag:s13] =	ssyncadd.s32 $0xFFFFC000  }
0x4f: {  	_ =	swait.ge [sflag:s14], $0x4000  }
0x50: {  	[sflag:s14] =	ssyncset.done $0x0  }
0x51: {  	[sflag:s14] =	ssyncadd.s32 $0xFFFFC000  }
0x52: {  	[hbm4b:s17+s2] =	stream.linear.scatter [tilespmem:s11], [sflag:$0x3], $0x4000, $0x38;
	[tilespmem:$0x8100] =	vst v63  }
0x53: {  	s15 =	sadd.s32 $0x1, s15;
	_ =	swait.ge [sflag:s9], $0x4000  }
0x54: {  	p0 =	sne.s32 s15, s4;
	[sflag:s9] =	ssyncset.done $0x0  }
.Ltmp1:
0x55: {  	[sflag:s9] =	ssyncadd.s32 $0xFFFFC000;
	(pc) =	sbr.rel @p0 .LBB2_1-.Ltmp1, $4  }
0x56: {  	[hbm4b:s16+s2] =	stream.linear.scatter [tilespmem:s12], [sflag:$0x3], $0x4000, $0x38;
	[tilespmem:$0x8100] =	vst v63  }
0x57: {  	_ =	swait.ge [sflag:s9], $0x4000  }
0x58: {  	[sflag:s9] =	ssyncset.done $0x0  }
0x59: {  	[sflag:s9] =	ssyncadd.s32 $0xFFFFC000  }
0x5a: {  	_ =	sfence.sel $0x180000  }
0x5b: {  	[bflag:$0x0] =	sbarrier.arrive $0xFFFF  }
0x5c: {  	p0 =	sne.s32 s1, $0x0;
	_ =	strace $0x9000004A  }
0x5d: {  	s0 =	sadd.s32 @!p0 $0x100000, s0;
	[bflag:$0x2] =	sbarrier.arrive $0xFFFF  }
0x5e: {  	[sflag:s0] =	ssyncadd.tile.s32 @!p0 $0x1;
	_ =	shalt  }
.Lfunc_end2:
_tile_overlayer_lowered:
.L_overlay_start_2:
0x5f: {  	(tag) =	ssettag $0x2  }
0x60: {  	s0 =	rddreg [dreg:$0x0];
	s2 =	stileid.u32  }
0x61: {  	s1 =	rddreg [dreg:$0x1];
	p0 =	sne.s32 s2, $0x0  }
0x62: {  	s3 =	rddreg [dreg:$0x2];
	[bflag:$0x3] =	sbarrier.arrive $0xFFFF;
	s2 =	simm.s32 @!p0 $0x1C03  }
0x63: {  	[timem:s3], [sflag:s2] =	dma.local @!p0 [hbm:s0], s1  }
0x64: {  	s0 =	simm.s32 @!p0 $0x3  }
0x65: {  	_ =	swait.ge @!p0 [sflag:s0], s1  }
0x66: {  	s1 =	ssub.s32 @!p0 $0x0, s1;
	[sflag:s0] =	ssyncset.done @!p0 $0x0  }
0x67: {  	[sflag:s0] =	ssyncadd.s32 @!p0 s1  }
0x68: {  	[bflag:$0x3] =	sbarrier.arrive $0xFFFF  }
0x69: {  	_ =	shalt  }

// kernel: kernel.21.cloned.1.call-start
scs
__scs_entry_jumppad:
0x0: {  	(pc) =	sbr.rel $0x88, $3  }
0x1: {  	(tag) =	ssettag $0x0;
	lr =	simm.s32 $0x1  }
0x2: {  	[smem:$0x3F91] =	sst lr;
	_ =	strace $0xD0000000  }
0x3: {  	_ = 	snop  }
0x4: {  	_ = 	snop  }
0x5: {  	_ = 	snop  }
0x6: {  	_ = 	snop  }
0x7: {  	_ = 	snop  }
__scs_overlays_trampoline_lowered:
0x8: {  	[smem:$0x3FA0] =	sst s0  }
0x9: {  	[smem:$0x3FA1] =	sst s1  }
0xa: {  	[smem:$0x3FA2] =	sst s2  }
0xb: {  	[smem:$0x3FA3] =	sst s3  }
0xc: {  	[smem:$0x3FA4] =	sst s4  }
0xd: {  	[smem:$0x3FA5] =	sst s5  }
0xe: {  	[smem:$0x3FA6] =	sst s6  }
0xf: {  	[smem:$0x3FA7] =	sst s7  }
0x10: {  	[smem:$0x3FA8] =	sst s8  }
0x11: {  	[smem:$0x3FA9] =	sst s9;
	s0 =	simm.s32 @!p0 $0x0  }
0x12: {  	s1 =	sld [smem:$0x3F8F];
	s0 =	simm.s32 @p0 $0x1  }
0x13: {  	[smem:$0x3FAA] =	sst s0;
	s0 =	simm.s32 @!p1 $0x0  }
0x14: {  	s2 =	sld [smem:$0x3F8E];
	s0 =	simm.s32 @p1 $0x1  }
0x15: {  	[smem:$0x3FAB] =	sst s0;
	s0 =	simm.s32 @!p2 $0x0  }
0x16: {  	s3 =	sld [smem:$0x3FDB];
	s0 =	simm.s32 @p2 $0x1  }
0x17: {  	s4 =	simm.s32 $0x1BF5;
	[smem:$0x3FAD] =	sst s0  }
0x18: {  	s0 =	sld [smem:$0x3F90];
	_ =	swait.ge [sflag:s4], $0x0  }
0x19: {  	s7 =	sld [smem:$0x3F91]  }
0x1a: {  	s8 =	sadd.s32 $0xFFFFE003, lr  }
0x1b: {  	s9 =	sadd.s32 $0xFFFFFEF7, lr;
	s5 =	simm.s32 $0xFFFFFFFF;
	p2 =	slt.u32 s8, $0xFFFFF086  }
0x1c: {  	p1 =	slt.u32 s9, $0xF7A;
	s5 =	simm.s32 @!p2 $0x0  }
0x1d: {  	s5 =	simm.s32 @p1 $0x1;
	p0 =	seq.s32 s7, s2  }
0x1e: {  	s7 =	smul.u32 @!p0 $0xF7A, s2;
	p2 =	seq.s32 @!p0 s5, $0x0  }
0x1f: {  	s9 =	smul.u32 $0xF7A, s1;
	s8 =	simm.s32 @!p0 $0x1BF5;
	p2 =	por !p2, p0  }
0x20: {  	[sflag:s8] =	ssyncset.s32 @!p0 $0xFFFFF086;
	s6 =	sadd.s32 @!p0 s3, s7;
	s7 =	simm.s32 @!p0 $0x108  }
0x21: {  	s3 =	sadd.s32 s3, s9;
	s6 =	sadd.s32 @!p0 $0x88, s6;
	s7 =	simm.s32 @p2 $0x1082  }
0x22: {  	[simem:s7], [sflag:s8] =	dma.local @!p0 [hbm:s6], $0xF7A  }
0x23: {  	s9 =	sor.u32 $0xD0000000, s2;
	s6 =	simm.s32 $0x108;
	_ =	swait.ge @!p0 [sflag:s8], $0x0  }
0x24: {  	s3 =	sadd.s32 $0x88, s3;
	s6 =	simm.s32 @!p1 $0x1082;
	[sflag:s4] =	ssyncset.s32 $0xFFFFF086  }
0x25: {  	[simem:s6], [sflag:s4] =	dma.local [hbm:s3], $0xF7A  }
0x26: {  	[smem:$0x3F91] =	sst s1;
	(tag) =	ssettag s2;
	_ =	strace s9  }
0x27: {  	s1 =	sld [smem:$0x3FA1]  }
0x28: {  	s2 =	sld [smem:$0x3FA2]  }
0x29: {  	s4 =	sld [smem:$0x3FA4]  }
0x2a: {  	p0 =	seq.s32 s5, $0x0;
	s5 =	sld [smem:$0x3FA5]  }
0x2b: {  	s6 =	sld [smem:$0x3FA6]  }
0x2c: {  	s7 =	sld [smem:$0x3FA7]  }
0x2d: {  	s3 =	simm.s32 $0x108;
	s8 =	sld [smem:$0x3FA8]  }
0x2e: {  	s3 =	simm.s32 @!p0 $0x1082;
	s9 =	sld [smem:$0x3FA9]  }
0x2f: {  	lr =	sadd.s32 s0, s3;
	s0 =	sld [smem:$0x3FA0]  }
0x30: {  	s3 =	sld [smem:$0x3FA3]  }
0x31: {  	[smem:$0x3FAC] =	sst s10  }
0x32: {  	s10 =	sld [smem:$0x3FAA];
	_ =	sdelay $0x3  }
0x33: {  	p0 =	seq.s32 s10, $0x1;
	s10 =	sld [smem:$0x3FAC];
	_ =	sdelay $0x3  }
0x34: {  	[smem:$0x3FAC] =	sst s10  }
0x35: {  	s10 =	sld [smem:$0x3FAB];
	_ =	sdelay $0x3  }
0x36: {  	p1 =	seq.s32 s10, $0x1;
	s10 =	sld [smem:$0x3FAC];
	_ =	sdelay $0x3  }
0x37: {  	[smem:$0x3FAC] =	sst s10  }
0x38: {  	s10 =	sld [smem:$0x3FAD]  }
0x39: {  	_ = 	snop;
	(pc) =	sbr.ind lr, $3  }
0x3a: {  	_ = 	snop  }
0x3b: {  	_ = 	snop  }
0x3c: {  	p2 =	seq.s32 s10, $0x1;
	s10 =	sld [smem:$0x3FAC]  }
0x3d: {  	_ =	shalt  }
0x3e: {  	_ =	shalt  }
0x3f: {  	_ =	shalt  }
0x40: {  	_ =	shalt  }
0x41: {  	_ =	shalt  }
0x42: {  	_ =	shalt  }
0x43: {  	_ =	shalt  }
0x44: {  	_ =	shalt  }
0x45: {  	_ =	shalt  }
0x46: {  	_ =	shalt  }
0x47: {  	_ =	shalt  }
0x48: {  	_ =	shalt  }
0x49: {  	_ =	shalt  }
0x4a: {  	_ =	shalt  }
0x4b: {  	_ =	shalt  }
0x4c: {  	_ =	shalt  }
0x4d: {  	_ =	shalt  }
0x4e: {  	_ =	shalt  }
0x4f: {  	_ =	shalt  }
0x50: {  	_ =	shalt  }
0x51: {  	_ =	shalt  }
0x52: {  	_ =	shalt  }
0x53: {  	_ =	shalt  }
0x54: {  	_ =	shalt  }
0x55: {  	_ =	shalt  }
0x56: {  	_ =	shalt  }
0x57: {  	_ =	shalt  }
0x58: {  	_ =	shalt  }
0x59: {  	_ =	shalt  }
0x5a: {  	_ =	shalt  }
0x5b: {  	_ =	shalt  }
0x5c: {  	_ =	shalt  }
0x5d: {  	_ =	shalt  }
0x5e: {  	_ =	shalt  }
0x5f: {  	_ =	shalt  }
0x60: {  	_ =	shalt  }
0x61: {  	_ =	shalt  }
0x62: {  	_ =	shalt  }
0x63: {  	_ =	shalt  }
0x64: {  	_ =	shalt  }
0x65: {  	_ =	shalt  }
0x66: {  	_ =	shalt  }
0x67: {  	_ =	shalt  }
0x68: {  	_ =	shalt  }
0x69: {  	_ =	shalt  }
0x6a: {  	_ =	shalt  }
0x6b: {  	_ =	shalt  }
0x6c: {  	_ =	shalt  }
0x6d: {  	_ =	shalt  }
0x6e: {  	_ =	shalt  }
0x6f: {  	_ =	shalt  }
0x70: {  	_ =	shalt  }
0x71: {  	_ =	shalt  }
0x72: {  	_ =	shalt  }
0x73: {  	_ =	shalt  }
0x74: {  	_ =	shalt  }
0x75: {  	_ =	shalt  }
0x76: {  	_ =	shalt  }
0x77: {  	_ =	shalt  }
0x78: {  	_ =	shalt  }
0x79: {  	_ =	shalt  }
0x7a: {  	_ =	shalt  }
0x7b: {  	_ =	shalt  }
0x7c: {  	_ =	shalt  }
0x7d: {  	_ =	shalt  }
0x7e: {  	_ =	shalt  }
0x7f: {  	_ =	shalt  }
0x80: {  	_ =	shalt  }
0x81: {  	_ =	shalt  }
0x82: {  	_ =	shalt  }
0x83: {  	_ =	shalt  }
0x84: {  	_ =	shalt  }
0x85: {  	_ =	shalt  }
0x86: {  	_ =	shalt  }
0x87: {  	_ =	shalt  }
.Lfunc_end0:
.L_simem_size_0:
called_computation.3_lowered:
.L_overlay_start_0:
0x88: {  	s2 =	sld [smem:$0x3FD9]  }
0x89: {  	s3 =	sld [smem:$0x3FFE];
	_ =	sdelay $0x1  }
0x8a: {  	s1 =	srdreg.scid  }
0x8b: {  	s0 =	sand.u32 $0x1, s1  }
0x8c: {  	s17 =	sshll.u32 s0, $0xA;
	s2 =	sadd.s32 s3, s2  }
0x8d: {  	s2 =	sadd.s32 s2, s17  }
0x8e: {  	[smem:$0x3FB8] =	sst s2  }
0x8f: {  	_ = 	snop  }
0x90: {  	(tm) =	ssettm $0x1  }
0x91: {  	s18 =	sld [smem:$0x3FFB];
	_ =	sdelay $0x3  }
0x92: {  	_ =	strace s18  }
0x93: {  	s2 =	sld [smem:$0x3FFC];
	_ =	sdelay $0x3  }
0x94: {  	_ =	strace s2  }
0x95: {  	s2 =	sld [smem:$0x3FFD];
	_ =	sdelay $0x3  }
0x96: {  	_ =	strace s2  }
0x97: {  	_ =	strace $0x8FFFFFFF  }
0x98: {  	s19 =	sld [smem:$0x3FDB];
	_ =	sdelay $0x1  }
0x99: {  	s20 =	simm.s32 $_scs_section_size  }
0x9a: {  	s4 =	simm.s32 $_size__tile_overlayer_lowered;
	s5 =	simm.s32 $_tile_overlayer_lowered  }
0x9b: {  	s6 =	simm.s32 $0x1BFF;
	s21 =	sshll.u32 s5, $0x1;
	s3 =	sadd.s32 s20, s19  }
0x9c: {  	s22 =	simm.s32 $0x0;
	s4 =	sshll.u32 s4, $0x1;
	s5 =	sadd.s32 s21, s3  }
0x9d: {  	[timem:s22], [sflag:s6] =	dma.local [hbm:s5], s4  }
0x9e: {  	_ =	swait.ge [sflag:s6], s4  }
0x9f: {  	s4 =	ssub.s32 $0x0, s4;
	[sflag:s6] =	ssyncset.done $0x0  }
0xa0: {  	[sflag:s6] =	ssyncadd.s32 s4;
	_ =	sdelay $0x1  }
0xa1: {  	s23 =	simm.s32 $0x1B8B  }
0xa2: {  	_ =	swait.ge [sflag:s23], $0x1  }
0xa3: {  	[sflag:s23] =	ssyncset.done $0x0  }
0xa4: {  	[sflag:s23] =	ssyncadd.s32 $0xFFFFFFFF  }
0xa5: {  	s4 =	sld [smem:$0x0]  }
0xa6: {  	s5 =	sand.u32 $0xFFFFFFFE, s1  }
0xa7: {  	p0 =	sne.s32 s1, s5  }
0xa8: {  	s5 =	sshll.u32 @p0 s5, $0xE  }
0xa9: {  	s5 =	sadd.s32 @p0 $0x11B8D, s5;
	s6 =	sshll.u32 @p0 s4, $0x11  }
0xaa: {  	s5 =	sor.u32 @p0 s6, s5  }
0xab: {  	[sflag:s5] =	ssyncadd.remote.s32 @p0 $0x1;
	_ =	sdelay $0x1  }
0xac: {  	s5 =	simm.s32 @p0 $0x1B8D  }
0xad: {  	_ =	swait.eq @p0 [sflag:s5], $0x1  }
0xae: {  	[sflag:s5] =	ssyncadd.s32 @p0 $0xFFFFFFFF  }
0xaf: {  	s6 =	sshll.u32 @!p0 s1, $0xE  }
0xb0: {  	s6 =	sor.u32 @!p0 $0x4000, s6;
	s5 =	simm.s32 @!p0 $0x1B8D  }
0xb1: {  	s4 =	sshll.u32 @!p0 s4, $0x11;
	s6 =	sadd.s32 @!p0 $0x11B8D, s6;
	_ =	swait.eq @!p0 [sflag:s5], $0x1  }
0xb2: {  	s4 =	sor.u32 @!p0 s4, s6;
	[sflag:s5] =	ssyncadd.s32 @!p0 $0xFFFFFFFF  }
0xb3: {  	s25 =	simm.s32 $0x1B8E;
	s24 =	sld [smem:$0x3FFE];
	[sflag:s4] =	ssyncadd.remote.s32 @!p0 $0x1  }
0xb4: {  	s26 =	simm.s32 $execute0_lowered;
	[smem:$0x3FD2] =	sst s25  }
0xb5: {  	s5 =	sshll.u32 s26, $0x1;
	_ =	strace $0x8000004C;
	[dreg:$0x1] =	wrdreg $0xFFFFFFFF  }
0xb6: {  	s28 =	simm.s32 $_size_execute0_lowered;
	s3 =	sadd.s32 s3, s5;
	[dreg:$0x0] =	wrdreg $0x0  }
0xb7: {  	s5 =	sshll.u32 s28, $0x1;
	[dreg:$0x2] =	wrdreg s3  }
0xb8: {  	[dreg:$0x3] =	wrdreg s5  }
0xb9: {  	[dreg:$0x4] =	wrdreg $0xC0  }
0xba: {  	_ =	task [dreg:s22], $0x5FFFF  }
0xbb: {  	[dreg:$0x1] =	wrdreg $0xFFFFFFFF  }
0xbc: {  	[dreg:$0x0] =	wrdreg $0x60  }
0xbd: {  	[dreg:$0x2] =	wrdreg s24  }
0xbe: {  	[dreg:$0x3] =	wrdreg $0xC  }
0xbf: {  	_ =	task.clear_ibuf [dreg:s22], $0x4FFFF;
	_ =	strace $0x9000004C  }
0xc0: {  	s29 =	simm.s32 $0xC;
	_ =	strace $0x8000004E  }
0xc1: {  	_ =	swait.ge [sflag:s29], $0x1  }
0xc2: {  	[sflag:s29] =	ssyncadd.s32 $0xFFFFFFFF  }
0xc3: {  	_ =	strace $0x9000004E  }
0xc4: {  	_ =	sfence  }
0xc5: {  	s30 =	sld [smem:$0x0];
	_ =	sdelay $0x2  }
0xc6: {  	s31 =	sshll.u32 s1, $0xD;
	s1 =	sshrl.u32 s1, $0x2  }
0xc7: {  	s4 =	sand.u32 $0x4000, s31;
	s1 =	sadd.s32 s1, s30  }
0xc8: {  	s0 =	sor.u32 s4, s0;
	s1 =	sshll.u32 s1, $0x11  }
0xc9: {  	s0 =	sor.u32 s1, s0  }
0xca: {  	s0 =	sadd.s32 $0x8F2B, s0  }
0xcb: {  	[sflag:s0] =	ssyncadd.remote.s32 $0x1  }
0xcc: {  	_ =	sfence.sel $0xFFFF  }
0xcd: {  	[dreg:$0x0] =	wrdreg $0xFFFFFFFF;
	(pc) =	sbr.abs _section_cstart, $3  }
0xce: {  	[dreg:$0x1] =	wrdreg $0xFFFFFFFF  }
0xcf: {  	_ =	task.clear_ibuf [dreg:s22], $0x2FFFF;
	_ =	strace $0x9FFFFFFF  }
0xd0: {  	(tm) =	ssettm $0x7FFFFFFF  }
0xd1: {  	_ =	shalt  }
tec
execute0_lowered:
.L_overlay_start_1:
0x0: {  	(tag) =	ssettag $0x1  }
0x1: {  	s4 =	rddreg [dreg:$0x0]  }
0x2: {  	s0 =	rddreg [dreg:$0x1];
	s3 =	srdreg.scid  }
0x3: {  	s2 =	simm.s32 $0x0;
	s1 =	stileid.u32;
	s11 =	simm.s32 $0x100  }
0x4: {  	s12 =	simm.s32 $0x4100;
	s13 =	simm.s32 $0x1;
	s14 =	simm.s32 $0x2  }
0x5: {  	s15 =	simm.s32 $0x0;
	s5 =	sand.u32 $0x1, s3;
	[smem:$0x7FF] =	sst s2  }
0x6: {  	s6 =	sshll.u32 s1, $0xA;
	s3 =	sadd.s32 $0x6000, s4;
	s29 =	sshll.u32 s1, $0xE  }
0x7: {  	s7 =	sshll.u32 s5, $0x9;
	_ =	strace $0x8000004D;
	s8 =	ssub.s32 $0x2, s5  }
0x8: {  	s5 =	sshll.u32 s5, $0xD;
	s6 =	sor.u32 s7, s6;
	s9 =	sshrl.u32 s8, $0x1  }
0x9: {  	s7 =	sadd.s32 s29, s4;
	s6 =	sshrl.u32 s6, $0x3;
	s30 =	ssub.s32 s8, s9  }
0xa: {  	s31 =	sadd.s32 s5, s7;
	s9 =	simm.s32 $0x3;
	s10 =	sadd.s32 s6, s4  }
0xb: {  	s4 =	smax.u32 s30, $0x1;
	s5 =	sadd.s32 $0x149800, s31;
	s6 =	sadd.s32 $0x189800, s31  }
0xc: {  	s7 =	sadd.s32 $0x48000, s10;
	s8 =	sadd.s32 $0x48800, s10;
	s10 =	simm.s32 $0x80  }
.LBB2_1:
0xd: {  	s16 =	sadd.s32 $0x0, s8  }
0xe: {  	[tilespmem:s2], [sflag:$0x3] =	stream.linear.gather [hbm4b:s16+s2], $0x80, $0x38;
	[tilespmem:$0x8100] =	vst v63  }
0xf: {  	_ =	swait.ge [sflag:s9], $0x80  }
0x10: {  	[sflag:s9] =	ssyncset.done $0x0  }
0x11: {  	s31 =	sadd.s32 $0x0, s7;
	[sflag:s9] =	ssyncadd.s32 $0xFFFFFF80  }
0x12: {  	[tilespmem:s10], [sflag:$0x3] =	stream.linear.gather [hbm4b:s31+s2], $0x80, $0x38;
	[tilespmem:$0x8100] =	vst v63  }
0x13: {  	_ =	swait.ge [sflag:s9], $0x80  }
0x14: {  	[sflag:s9] =	ssyncset.done $0x0  }
0x15: {  	[sflag:s9] =	ssyncadd.s32 $0xFFFFFF80  }
0x16: {  	[tilespmem:s11], [sflag:$0x1] =	stream.indirect.gather [hbm4b:s3+s10], $0x80, s2, s10, $0xb8;
	[tilespmem:$0x8100] =	vst v63  }
0x17: {  	_ = 	snop  }
0x18: {  	[tilespmem:s12], [sflag:$0x2] =	stream.indirect.gather [hbm4b:s3+s10], $0x80, s10, s10, $0xb8;
	[tilespmem:$0x8100] =	vst v63  }
0x19: {  	_ =	swait.ge [sflag:s13], $0x4000  }
0x1a: {  	[sflag:s13] =	ssyncset.done $0x0  }
0x1b: {  	[sflag:s13] =	ssyncadd.s32 $0xFFFFC000  }
0x1c: {  	_ =	swait.ge [sflag:s14], $0x4000  }
0x1d: {  	[sflag:s14] =	ssyncset.done $0x0  }
0x1e: {  	[sflag:s14] =	ssyncadd.s32 $0xFFFFC000  }
0x1f: {  	[hbm4b:s5+s2] =	stream.linear.scatter [tilespmem:s11], [sflag:$0x3], $0x4000, $0x38;
	[tilespmem:$0x8100] =	vst v63  }
0x20: {  	_ =	swait.ge [sflag:s9], $0x4000  }
0x21: {  	[sflag:s9] =	ssyncset.done $0x0  }
0x22: {  	[sflag:s9] =	ssyncadd.s32 $0xFFFFC000  }
0x23: {  	[hbm4b:s6+s2] =	stream.linear.scatter [tilespmem:s12], [sflag:$0x3], $0x4000, $0x38;
	[tilespmem:$0x8100] =	vst v63  }
0x24: {  	s18 =	simm.s32 $0x10;
	s19 =	simm.s32 $0x20;
	_ =	swait.ge [sflag:s9], $0x4000  }
0x25: {  	s17 =	sadd.s32 $0x800, s5;
	s16 =	sadd.s32 $0x800, s6;
	[sflag:s9] =	ssyncset.done $0x0  }
.LBB2_2:
0x26: {  	s20 =	sadd.s32 s18, s8  }
0x27: {  	[sflag:s9] =	ssyncadd.s32 $0xFFFFC000;
	s21 =	smov.u32 s19;
	s22 =	sadd.s32 $0x10, s19  }
0x28: {  	[tilespmem:s2], [sflag:$0x3] =	stream.linear.gather [hbm4b:s20+s2], $0x80, $0x38;
	[tilespmem:$0x8100] =	vst v63  }
0x29: {  	p0 =	sne.s32 s19, $0x30;
	_ =	swait.ge [sflag:s9], $0x80  }
0x2a: {  	[sflag:s9] =	ssyncset.done $0x0  }
0x2b: {  	s19 =	sadd.s32 s18, s7;
	s18 =	smov.u32 s21;
	[sflag:s9] =	ssyncadd.s32 $0xFFFFFF80  }
0x2c: {  	[tilespmem:s10], [sflag:$0x3] =	stream.linear.gather [hbm4b:s19+s2], $0x80, $0x38;
	[tilespmem:$0x8100] =	vst v63  }
0x2d: {  	_ =	swait.ge [sflag:s9], $0x80  }
0x2e: {  	[sflag:s9] =	ssyncset.done $0x0  }
0x2f: {  	[sflag:s9] =	ssyncadd.s32 $0xFFFFFF80  }
0x30: {  	[tilespmem:s11], [sflag:$0x1] =	stream.indirect.gather [hbm4b:s3+s10], $0x80, s2, s10, $0xb8;
	[tilespmem:$0x8100] =	vst v63  }
0x31: {  	_ = 	snop  }
0x32: {  	[tilespmem:s12], [sflag:$0x2] =	stream.indirect.gather [hbm4b:s3+s10], $0x80, s10, s10, $0xb8;
	[tilespmem:$0x8100] =	vst v63  }
0x33: {  	_ =	swait.ge [sflag:s13], $0x4000  }
0x34: {  	[sflag:s13] =	ssyncset.done $0x0  }
0x35: {  	[sflag:s13] =	ssyncadd.s32 $0xFFFFC000  }
0x36: {  	_ =	swait.ge [sflag:s14], $0x4000  }
0x37: {  	[sflag:s14] =	ssyncset.done $0x0  }
0x38: {  	[sflag:s14] =	ssyncadd.s32 $0xFFFFC000  }
0x39: {  	[hbm4b:s17+s2] =	stream.linear.scatter [tilespmem:s11], [sflag:$0x3], $0x4000, $0x38;
	[tilespmem:$0x8100] =	vst v63  }
0x3a: {  	_ =	swait.ge [sflag:s9], $0x4000  }
.Ltmp0:
0x3b: {  	[sflag:s9] =	ssyncset.done $0x0;
	(pc) =	sbr.rel @p0 .LBB2_2-.Ltmp0, $4  }
0x3c: {  	[sflag:s9] =	ssyncadd.s32 $0xFFFFC000  }
0x3d: {  	[hbm4b:s16+s2] =	stream.linear.scatter [tilespmem:s12], [sflag:$0x3], $0x4000, $0x38;
	[tilespmem:$0x8100] =	vst v63  }
0x3e: {  	s19 =	smov.u32 s22;
	_ =	swait.ge [sflag:s9], $0x4000  }
0x3f: {  	s17 =	sadd.s32 $0x800, s17;
	s16 =	sadd.s32 $0x800, s16;
	[sflag:s9] =	ssyncset.done $0x0  }
0x40: {  	s19 =	sadd.s32 s18, s8;
	[sflag:s9] =	ssyncadd.s32 $0xFFFFC000  }
0x41: {  	[tilespmem:s2], [sflag:$0x3] =	stream.linear.gather [hbm4b:s19+s2], $0x80, $0x38;
	[tilespmem:$0x8100] =	vst v63  }
0x42: {  	_ =	swait.ge [sflag:s9], $0x80  }
0x43: {  	[sflag:s9] =	ssyncset.done $0x0  }
0x44: {  	s31 =	sadd.s32 s18, s7;
	[sflag:s9] =	ssyncadd.s32 $0xFFFFFF80  }
0x45: {  	[tilespmem:s10], [sflag:$0x3] =	stream.linear.gather [hbm4b:s31+s2], $0x80, $0x38;
	[tilespmem:$0x8100] =	vst v63  }
0x46: {  	_ =	swait.ge [sflag:s9], $0x80  }
0x47: {  	[sflag:s9] =	ssyncset.done $0x0  }
0x48: {  	[sflag:s9] =	ssyncadd.s32 $0xFFFFFF80  }
0x49: {  	[tilespmem:s11], [sflag:$0x1] =	stream.indirect.gather [hbm4b:s3+s10], $0x80, s2, s10, $0xb8;
	[tilespmem:$0x8100] =	vst v63  }
0x4a: {  	_ = 	snop  }
0x4b: {  	[tilespmem:s12], [sflag:$0x2] =	stream.indirect.gather [hbm4b:s3+s10], $0x80, s10, s10, $0xb8;
	[tilespmem:$0x8100] =	vst v63  }
0x4c: {  	_ =	swait.ge [sflag:s13], $0x4000  }
0x4d: {  	[sflag:s13] =	ssyncset.done $0x0  }
0x4e: {  	[sflag:s13] =	ssyncadd.s32 $0xFFFFC000  }
0x4f: {  	_ =	swait.ge [sflag:s14], $0x4000  }
0x50: {  	[sflag:s14] =	ssyncset.done $0x0  }
0x51: {  	[sflag:s14] =	ssyncadd.s32 $0xFFFFC000  }
0x52: {  	[hbm4b:s17+s2] =	stream.linear.scatter [tilespmem:s11], [sflag:$0x3], $0x4000, $0x38;
	[tilespmem:$0x8100] =	vst v63  }
0x53: {  	s15 =	sadd.s32 $0x1, s15;
	_ =	swait.ge [sflag:s9], $0x4000  }
0x54: {  	p0 =	sne.s32 s15, s4;
	[sflag:s9] =	ssyncset.done $0x0  }
.Ltmp1:
0x55: {  	[sflag:s9] =	ssyncadd.s32 $0xFFFFC000;
	(pc) =	sbr.rel @p0 .LBB2_1-.Ltmp1, $4  }
0x56: {  	[hbm4b:s16+s2] =	stream.linear.scatter [tilespmem:s12], [sflag:$0x3], $0x4000, $0x38;
	[tilespmem:$0x8100] =	vst v63  }
0x57: {  	_ =	swait.ge [sflag:s9], $0x4000  }
0x58: {  	[sflag:s9] =	ssyncset.done $0x0  }
0x59: {  	[sflag:s9] =	ssyncadd.s32 $0xFFFFC000  }
0x5a: {  	_ =	sfence.sel $0x180000  }
0x5b: {  	[bflag:$0x0] =	sbarrier.arrive $0xFFFF  }
0x5c: {  	p0 =	sne.s32 s1, $0x0;
	_ =	strace $0x9000004D  }
0x5d: {  	s0 =	sadd.s32 @!p0 $0x100000, s0;
	[bflag:$0x2] =	sbarrier.arrive $0xFFFF  }
0x5e: {  	[sflag:s0] =	ssyncadd.tile.s32 @!p0 $0x1;
	_ =	shalt  }
.Lfunc_end2:
_tile_overlayer_lowered:
.L_overlay_start_2:
0x5f: {  	(tag) =	ssettag $0x2  }
0x60: {  	s0 =	rddreg [dreg:$0x0];
	s2 =	stileid.u32  }
0x61: {  	s1 =	rddreg [dreg:$0x1];
	p0 =	sne.s32 s2, $0x0  }
0x62: {  	s3 =	rddreg [dreg:$0x2];
	[bflag:$0x3] =	sbarrier.arrive $0xFFFF;
	s2 =	simm.s32 @!p0 $0x1C03  }
0x63: {  	[timem:s3], [sflag:s2] =	dma.local @!p0 [hbm:s0], s1  }
0x64: {  	s0 =	simm.s32 @!p0 $0x3  }
0x65: {  	_ =	swait.ge @!p0 [sflag:s0], s1  }
0x66: {  	s1 =	ssub.s32 @!p0 $0x0, s1;
	[sflag:s0] =	ssyncset.done @!p0 $0x0  }
0x67: {  	[sflag:s0] =	ssyncadd.s32 @!p0 s1  }
0x68: {  	[bflag:$0x3] =	sbarrier.arrive $0xFFFF  }
0x69: {  	_ =	shalt  }

</sc_bundles>
